<compile_context>
chip_gen: v7x
topology: tpu7x:2x2x1
jax: 0.10.2.dev20260603
libtpu: 0.0.44.dev20260713+nightly
codegen_flags: <defaults>
</compile_context>

<pallas_src>
import jax
import jax.numpy as jnp
from jax import lax
from jax.experimental import pallas as pl
from jax.experimental.pallas import tpu as pltpu
from jax.experimental.pallas import tpu_sc as plsc

POOL = 256
K = 8
PLEN = 8
DIM = 768
BATCH = 128

NC = 2
NS = 16
NW = NC * NS
ROWS_PER_W = (BATCH * K) // NW
CHUNK = 4
NBUF = 4
NCH = ROWS_PER_W // CHUNK
IDX_STRIDE = 8


def _topk_body(q_ref, k_ref, qn_ref, kn_ref, sim_ref, idx_ref):
    dot = lax.dot_general(q_ref[...], k_ref[...], (((1,), (1,)), ((), ())),
                          preferred_element_type=jnp.float32)
    m = 1.0 - dot / (qn_ref[...] * kn_ref[...])

    iota = lax.broadcasted_iota(jnp.int32, (BATCH, POOL), 1).astype(jnp.float32)
    col = lax.broadcasted_iota(jnp.int32, (BATCH, K), 1)
    simacc = jnp.zeros((BATCH, K), jnp.float32)
    idxacc = jnp.zeros((BATCH, K), jnp.float32)
    big = jnp.float32(POOL)
    for j in range(K):
        mn = jnp.min(m, axis=1, keepdims=True)
        sel = jnp.min(jnp.where(m == mn, iota, big), axis=1,
                      keepdims=True)
        simacc = jnp.where(col == j, mn, simacc)
        idxacc = jnp.where(col == j, sel, idxacc)
        m = jnp.where(iota == sel, jnp.inf, m)
    sim_ref[...] = simacc
    idx_ref[...] = idxacc.astype(jnp.int32)


def _gather_body(prompts_hbm, idx_hbm, out_hbm, idx_v, bufs, gsems, ssems):
    wid = lax.axis_index("s") * NC + lax.axis_index("c")
    base = wid * ROWS_PER_W
    pltpu.sync_copy(idx_hbm.at[pl.ds(wid * NCH * IDX_STRIDE, NCH * IDX_STRIDE)],
                    idx_v)

    def gather(c):
        return pltpu.async_copy(
            prompts_hbm.at[idx_v.at[pl.ds(c * IDX_STRIDE, CHUNK)]],
            bufs[c % NBUF], gsems[c % NBUF])

    def scatter(c):
        return pltpu.async_copy(
            bufs[c % NBUF], out_hbm.at[pl.ds(base + c * CHUNK, CHUNK)],
            ssems[c % NBUF])

    g = [gather(b) for b in range(NBUF)]
    s = [None] * NCH
    for c in range(NCH):
        g[c % NBUF].wait()
        s[c] = scatter(c)
        if c + NBUF < NCH:
            s[c].wait()
            g[c % NBUF] = gather(c + NBUF)
    for c in range(NCH - NBUF, NCH):
        s[c].wait()


@jax.jit
def kernel(query, key_param, prompts):
    eps = 1e-8
    qn = jnp.maximum(jnp.linalg.norm(query, axis=-1, keepdims=True), eps)
    kn = jnp.maximum(jnp.linalg.norm(key_param, axis=-1, keepdims=True), eps)
    sim, idx = pl.pallas_call(
        _topk_body,
        out_shape=(
            jax.ShapeDtypeStruct((BATCH, K), jnp.float32),
            jax.ShapeDtypeStruct((BATCH, K), jnp.int32),
        ),
    )(query, key_param, qn, kn.T)

    gather = pl.kernel(
        _gather_body,
        out_type=jax.ShapeDtypeStruct((BATCH * K, PLEN, DIM), jnp.float32),
        mesh=plsc.VectorSubcoreMesh(core_axis_name="c", subcore_axis_name="s"),
        scratch_types=[
            pltpu.VMEM((NCH * IDX_STRIDE,), jnp.int32),
            [pltpu.VMEM((CHUNK, PLEN, DIM), jnp.float32) for _ in range(NBUF)],
            [pltpu.SemaphoreType.DMA for _ in range(NBUF)],
            [pltpu.SemaphoreType.DMA for _ in range(NBUF)],
        ],
    )
    idx_pad = jnp.pad(idx.reshape(BATCH * K // CHUNK, CHUNK),
                      ((0, 0), (0, IDX_STRIDE - CHUNK))).reshape(-1)
    sel_flat = gather(prompts, idx_pad)
    return sim, sel_flat.reshape(BATCH, K, PLEN, DIM)

# --- scband reference (transcript-rebuilt; emitter-appended) ---
"""Pipeline reference for scband-prompt-27487790694491 (READ-ONLY COPY).

The authoritative reference and input builder live on the scoring server;
editing this copy changes nothing except your own understanding.
"""

import jax, jax.numpy as jnp
import numpy as np

POOL_SIZE = 256
SELECTION_SIZE = 8
PROMPT_LEN = 8
DIM = 768
BATCH = 128

def setup_inputs(seed: int = 0) -> dict:
    key = jax.random.key(seed)
    k1, k2, k3 = jax.random.split(key, 3)
    query = jax.random.normal(k1, (BATCH, DIM), dtype=jnp.float32)
    key_param = jax.random.uniform(k2, (POOL_SIZE, DIM), dtype=jnp.float32, minval=-1.0, maxval=1.0)
    prompts = jax.random.uniform(k3, (POOL_SIZE, PROMPT_LEN, DIM), dtype=jnp.float32, minval=-1.0, maxval=1.0)
    return {"query": query, "key_param": key_param, "prompts": prompts}

def reference(query, key_param, prompts):
    eps = 1e-8
    # cosine similarity between each query and each pool key (torch F.cosine_similarity semantics)
    qn = jnp.maximum(jnp.linalg.norm(query, axis=-1, keepdims=True), eps)      # [B, 1]
    kn = jnp.maximum(jnp.linalg.norm(key_param, axis=-1, keepdims=True), eps)  # [P, 1]
    cos = (query @ key_param.T) / (qn * kn.T)                                   # [B, P]
    match = 1.0 - cos                                                           # [B, P]
    # top-k smallest (largest=False, sorted=True) -> top_k on negated values
    _, topk = jax.lax.top_k(-match, SELECTION_SIZE)                             # [B, K]
    # gather selected prompts: [B, K, prompt_len, dim]
    selection = jnp.take(prompts, topk, axis=0)
    # gather matched similarities: [B, K]
    simmilarity = jnp.take_along_axis(match, topk, axis=1)
    return (simmilarity, selection)

if __name__ == "__main__":
    import jax
    _d = setup_inputs()
    print(jax.jit(kernel)(*tuple(_d.values())))

</pallas_src>

<mosaic_0001>
#map = affine_map<(d0, d1) -> (0, 0, 0)>
#map1 = affine_map<(d0, d1) -> (0)>
module attributes {stable_mosaic.version = 14 : i64} {
  func.func @_gather_body(%arg0: i32, %arg1: i32, %arg2: memref<256x8x768xf32, #tpu.memory_space<hbm>>, %arg3: memref<2048xi32, #tpu.memory_space<hbm>>, %arg4: memref<1024x8x768xf32, #tpu.memory_space<hbm>>, %arg5: memref<64xi32, #tpu.memory_space<vmem>>, %arg6: memref<4x8x768xf32, #tpu.memory_space<vmem>>, %arg7: memref<4x8x768xf32, #tpu.memory_space<vmem>>, %arg8: memref<4x8x768xf32, #tpu.memory_space<vmem>>, %arg9: memref<4x8x768xf32, #tpu.memory_space<vmem>>, %arg10: memref<!tpu.dma_semaphore, #tpu.memory_space<semaphore_mem>>, %arg11: memref<!tpu.dma_semaphore, #tpu.memory_space<semaphore_mem>>, %arg12: memref<!tpu.dma_semaphore, #tpu.memory_space<semaphore_mem>>, %arg13: memref<!tpu.dma_semaphore, #tpu.memory_space<semaphore_mem>>, %arg14: memref<!tpu.dma_semaphore, #tpu.memory_space<semaphore_mem>>, %arg15: memref<!tpu.dma_semaphore, #tpu.memory_space<semaphore_mem>>, %arg16: memref<!tpu.dma_semaphore, #tpu.memory_space<semaphore_mem>>, %arg17: memref<!tpu.dma_semaphore, #tpu.memory_space<semaphore_mem>>) attributes {dimension_semantics = [#tpu.dimension_semantics<core_parallel>, #tpu.dimension_semantics<subcore_parallel>], iteration_bounds = array<i64: 2, 16>, scalar_prefetch = 0 : i64, scratch_operands = 13 : i64, tpu.core_type = #tpu.core_type<sc_vector_subcore>, window_params = [{transform_indices = #map}, {transform_indices = #map1}, {transform_indices = #map}]} {
    %mul3A = arith.constant 2 : i32
    %mul3A_0 = arith.muli %arg1, %mul3A : i32
    %add3A = arith.addi %mul3A_0, %arg0 : i32
    %mul3A_1 = arith.constant 32 : i32
    %mul3A_2 = arith.muli %add3A, %mul3A_1 : i32
    %mul3A_3 = arith.constant 8 : i32
    %mul3A_4 = arith.muli %add3A, %mul3A_3 : i32
    %mul3A_5 = arith.constant 8 : i32
    %mul3A_6 = arith.muli %mul3A_4, %mul3A_5 : i32
    "tpu.region"() ({
      %run_scoped3A = tpu.sem_alloc : memref<!tpu.dma_semaphore, #tpu.memory_space<semaphore_mem>>
      %dma_start3A_213 = tpu.memref_slice %arg3[%mul3A_6] : memref<2048xi32, #tpu.memory_space<hbm>> -> memref<64xi32, #tpu.memory_space<hbm>>
      %dma_start3A_214 = tpu.memref_slice %arg3[%mul3A_6] : memref<2048xi32, #tpu.memory_space<hbm>> -> memref<64xi32, #tpu.memory_space<hbm>>
      tpu.enqueue_dma source(%dma_start3A_214 : memref<64xi32, #tpu.memory_space<hbm>>) target(%arg5 : memref<64xi32, #tpu.memory_space<vmem>>) target_semaphore(%run_scoped3A : memref<!tpu.dma_semaphore, #tpu.memory_space<semaphore_mem>>)
      %dma_wait3A_215 = tpu.memref_slice %arg3[%mul3A_6] : memref<2048xi32, #tpu.memory_space<hbm>> -> memref<64xi32, #tpu.memory_space<hbm>>
      %dma_wait3A_216 = tpu.memref_slice %arg3[%mul3A_6] : memref<2048xi32, #tpu.memory_space<hbm>> -> memref<64xi32, #tpu.memory_space<hbm>>
      tpu.wait_dma2 semaphore(%run_scoped3A : memref<!tpu.dma_semaphore, #tpu.memory_space<semaphore_mem>>) src(%dma_wait3A_216 : memref<64xi32, #tpu.memory_space<hbm>>) dst(%arg5 : memref<64xi32, #tpu.memory_space<vmem>>)
      tpu.yield
    }) : () -> ()
    %dma_start3A = arith.constant 0 : i32
    %dma_start3A_7 = tpu.memref_slice %arg5[%dma_start3A] : memref<64xi32, #tpu.memory_space<vmem>> -> memref<4xi32, #tpu.memory_space<vmem>>
    %dma_start3A_8 = arith.constant 0 : i32
    %dma_start3A_9 = arith.constant 0 : i32
    %dma_start3A_10 = arith.constant 0 : i32
    %dma_start3A_11 = tpu.memref_slice %arg2[%dma_start3A_8, %dma_start3A_9, %dma_start3A_10] : memref<256x8x768xf32, #tpu.memory_space<hbm>> -> memref<256x8x768xf32, #tpu.memory_space<hbm>>
    tpu.enqueue_indirect_dma source(%dma_start3A_11 : memref<256x8x768xf32, #tpu.memory_space<hbm>>) target(%arg6 : memref<4x8x768xf32, #tpu.memory_space<vmem>>) offsets(%dma_start3A_7 : memref<4xi32, #tpu.memory_space<vmem>>) semaphore(%arg10 : memref<!tpu.dma_semaphore, #tpu.memory_space<semaphore_mem>>)
    %dma_start3A_12 = arith.constant 8 : i32
    %dma_start3A_13 = tpu.memref_slice %arg5[%dma_start3A_12] : memref<64xi32, #tpu.memory_space<vmem>> -> memref<4xi32, #tpu.memory_space<vmem>>
    %dma_start3A_14 = arith.constant 0 : i32
    %dma_start3A_15 = arith.constant 0 : i32
    %dma_start3A_16 = arith.constant 0 : i32
    %dma_start3A_17 = tpu.memref_slice %arg2[%dma_start3A_14, %dma_start3A_15, %dma_start3A_16] : memref<256x8x768xf32, #tpu.memory_space<hbm>> -> memref<256x8x768xf32, #tpu.memory_space<hbm>>
    tpu.enqueue_indirect_dma source(%dma_start3A_17 : memref<256x8x768xf32, #tpu.memory_space<hbm>>) target(%arg7 : memref<4x8x768xf32, #tpu.memory_space<vmem>>) offsets(%dma_start3A_13 : memref<4xi32, #tpu.memory_space<vmem>>) semaphore(%arg11 : memref<!tpu.dma_semaphore, #tpu.memory_space<semaphore_mem>>)
    %dma_start3A_18 = arith.constant 16 : i32
    %dma_start3A_19 = tpu.memref_slice %arg5[%dma_start3A_18] : memref<64xi32, #tpu.memory_space<vmem>> -> memref<4xi32, #tpu.memory_space<vmem>>
    %dma_start3A_20 = arith.constant 0 : i32
    %dma_start3A_21 = arith.constant 0 : i32
    %dma_start3A_22 = arith.constant 0 : i32
    %dma_start3A_23 = tpu.memref_slice %arg2[%dma_start3A_20, %dma_start3A_21, %dma_start3A_22] : memref<256x8x768xf32, #tpu.memory_space<hbm>> -> memref<256x8x768xf32, #tpu.memory_space<hbm>>
    tpu.enqueue_indirect_dma source(%dma_start3A_23 : memref<256x8x768xf32, #tpu.memory_space<hbm>>) target(%arg8 : memref<4x8x768xf32, #tpu.memory_space<vmem>>) offsets(%dma_start3A_19 : memref<4xi32, #tpu.memory_space<vmem>>) semaphore(%arg12 : memref<!tpu.dma_semaphore, #tpu.memory_space<semaphore_mem>>)
    %dma_start3A_24 = arith.constant 24 : i32
    %dma_start3A_25 = tpu.memref_slice %arg5[%dma_start3A_24] : memref<64xi32, #tpu.memory_space<vmem>> -> memref<4xi32, #tpu.memory_space<vmem>>
    %dma_start3A_26 = arith.constant 0 : i32
    %dma_start3A_27 = arith.constant 0 : i32
    %dma_start3A_28 = arith.constant 0 : i32
    %dma_start3A_29 = tpu.memref_slice %arg2[%dma_start3A_26, %dma_start3A_27, %dma_start3A_28] : memref<256x8x768xf32, #tpu.memory_space<hbm>> -> memref<256x8x768xf32, #tpu.memory_space<hbm>>
    tpu.enqueue_indirect_dma source(%dma_start3A_29 : memref<256x8x768xf32, #tpu.memory_space<hbm>>) target(%arg9 : memref<4x8x768xf32, #tpu.memory_space<vmem>>) offsets(%dma_start3A_25 : memref<4xi32, #tpu.memory_space<vmem>>) semaphore(%arg13 : memref<!tpu.dma_semaphore, #tpu.memory_space<semaphore_mem>>)
    %dma_wait3A = arith.constant 0 : i32
    %dma_wait3A_30 = tpu.memref_slice %arg5[%dma_wait3A] : memref<64xi32, #tpu.memory_space<vmem>> -> memref<4xi32, #tpu.memory_space<vmem>>
    %dma_wait3A_31 = arith.constant 0 : i32
    %dma_wait3A_32 = arith.constant 0 : i32
    %dma_wait3A_33 = arith.constant 0 : i32
    %dma_wait3A_34 = tpu.memref_slice %arg2[%dma_wait3A_31, %dma_wait3A_32, %dma_wait3A_33] : memref<256x8x768xf32, #tpu.memory_space<hbm>> -> memref<256x8x768xf32, #tpu.memory_space<hbm>>
    tpu.wait_indirect_dma semaphore(%arg10 : memref<!tpu.dma_semaphore, #tpu.memory_space<semaphore_mem>>) src(%dma_wait3A_34 : memref<256x8x768xf32, #tpu.memory_space<hbm>>) dst(%arg6 : memref<4x8x768xf32, #tpu.memory_space<vmem>>)
    %add3A_35 = arith.constant 0 : i32
    %add3A_36 = arith.addi %mul3A_2, %add3A_35 : i32
    %dma_start3A_37 = arith.constant 0 : i32
    %dma_start3A_38 = arith.constant 0 : i32
    %dma_start3A_39 = tpu.memref_slice %arg4[%add3A_36, %dma_start3A_37, %dma_start3A_38] : memref<1024x8x768xf32, #tpu.memory_space<hbm>> -> memref<4x8x768xf32, #tpu.memory_space<hbm>>
    %dma_start3A_40 = arith.constant 0 : i32
    %dma_start3A_41 = arith.constant 0 : i32
    %dma_start3A_42 = tpu.memref_slice %arg4[%add3A_36, %dma_start3A_40, %dma_start3A_41] : memref<1024x8x768xf32, #tpu.memory_space<hbm>> -> memref<4x8x768xf32, #tpu.memory_space<hbm>>
    tpu.enqueue_dma source(%arg6 : memref<4x8x768xf32, #tpu.memory_space<vmem>>) target(%dma_start3A_42 : memref<4x8x768xf32, #tpu.memory_space<hbm>>) target_semaphore(%arg14 : memref<!tpu.dma_semaphore, #tpu.memory_space<semaphore_mem>>)
    %dma_wait3A_43 = arith.constant 0 : i32
    %dma_wait3A_44 = arith.constant 0 : i32
    %dma_wait3A_45 = tpu.memref_slice %arg4[%add3A_36, %dma_wait3A_43, %dma_wait3A_44] : memref<1024x8x768xf32, #tpu.memory_space<hbm>> -> memref<4x8x768xf32, #tpu.memory_space<hbm>>
    %dma_wait3A_46 = arith.constant 0 : i32
    %dma_wait3A_47 = arith.constant 0 : i32
    %dma_wait3A_48 = tpu.memref_slice %arg4[%add3A_36, %dma_wait3A_46, %dma_wait3A_47] : memref<1024x8x768xf32, #tpu.memory_space<hbm>> -> memref<4x8x768xf32, #tpu.memory_space<hbm>>
    tpu.wait_dma2 semaphore(%arg14 : memref<!tpu.dma_semaphore, #tpu.memory_space<semaphore_mem>>) src(%arg6 : memref<4x8x768xf32, #tpu.memory_space<vmem>>) dst(%dma_wait3A_48 : memref<4x8x768xf32, #tpu.memory_space<hbm>>)
    %dma_start3A_49 = arith.constant 32 : i32
    %dma_start3A_50 = tpu.memref_slice %arg5[%dma_start3A_49] : memref<64xi32, #tpu.memory_space<vmem>> -> memref<4xi32, #tpu.memory_space<vmem>>
    %dma_start3A_51 = arith.constant 0 : i32
    %dma_start3A_52 = arith.constant 0 : i32
    %dma_start3A_53 = arith.constant 0 : i32
    %dma_start3A_54 = tpu.memref_slice %arg2[%dma_start3A_51, %dma_start3A_52, %dma_start3A_53] : memref<256x8x768xf32, #tpu.memory_space<hbm>> -> memref<256x8x768xf32, #tpu.memory_space<hbm>>
    tpu.enqueue_indirect_dma source(%dma_start3A_54 : memref<256x8x768xf32, #tpu.memory_space<hbm>>) target(%arg6 : memref<4x8x768xf32, #tpu.memory_space<vmem>>) offsets(%dma_start3A_50 : memref<4xi32, #tpu.memory_space<vmem>>) semaphore(%arg10 : memref<!tpu.dma_semaphore, #tpu.memory_space<semaphore_mem>>)
    %dma_wait3A_55 = arith.constant 8 : i32
    %dma_wait3A_56 = tpu.memref_slice %arg5[%dma_wait3A_55] : memref<64xi32, #tpu.memory_space<vmem>> -> memref<4xi32, #tpu.memory_space<vmem>>
    %dma_wait3A_57 = arith.constant 0 : i32
    %dma_wait3A_58 = arith.constant 0 : i32
    %dma_wait3A_59 = arith.constant 0 : i32
    %dma_wait3A_60 = tpu.memref_slice %arg2[%dma_wait3A_57, %dma_wait3A_58, %dma_wait3A_59] : memref<256x8x768xf32, #tpu.memory_space<hbm>> -> memref<256x8x768xf32, #tpu.memory_space<hbm>>
    tpu.wait_indirect_dma semaphore(%arg11 : memref<!tpu.dma_semaphore, #tpu.memory_space<semaphore_mem>>) src(%dma_wait3A_60 : memref<256x8x768xf32, #tpu.memory_space<hbm>>) dst(%arg7 : memref<4x8x768xf32, #tpu.memory_space<vmem>>)
    %add3A_61 = arith.constant 4 : i32
    %add3A_62 = arith.addi %mul3A_2, %add3A_61 : i32
    %dma_start3A_63 = arith.constant 0 : i32
    %dma_start3A_64 = arith.constant 0 : i32
    %dma_start3A_65 = tpu.memref_slice %arg4[%add3A_62, %dma_start3A_63, %dma_start3A_64] : memref<1024x8x768xf32, #tpu.memory_space<hbm>> -> memref<4x8x768xf32, #tpu.memory_space<hbm>>
    %dma_start3A_66 = arith.constant 0 : i32
    %dma_start3A_67 = arith.constant 0 : i32
    %dma_start3A_68 = tpu.memref_slice %arg4[%add3A_62, %dma_start3A_66, %dma_start3A_67] : memref<1024x8x768xf32, #tpu.memory_space<hbm>> -> memref<4x8x768xf32, #tpu.memory_space<hbm>>
    tpu.enqueue_dma source(%arg7 : memref<4x8x768xf32, #tpu.memory_space<vmem>>) target(%dma_start3A_68 : memref<4x8x768xf32, #tpu.memory_space<hbm>>) target_semaphore(%arg15 : memref<!tpu.dma_semaphore, #tpu.memory_space<semaphore_mem>>)
    %dma_wait3A_69 = arith.constant 0 : i32
    %dma_wait3A_70 = arith.constant 0 : i32
    %dma_wait3A_71 = tpu.memref_slice %arg4[%add3A_62, %dma_wait3A_69, %dma_wait3A_70] : memref<1024x8x768xf32, #tpu.memory_space<hbm>> -> memref<4x8x768xf32, #tpu.memory_space<hbm>>
    %dma_wait3A_72 = arith.constant 0 : i32
    %dma_wait3A_73 = arith.constant 0 : i32
    %dma_wait3A_74 = tpu.memref_slice %arg4[%add3A_62, %dma_wait3A_72, %dma_wait3A_73] : memref<1024x8x768xf32, #tpu.memory_space<hbm>> -> memref<4x8x768xf32, #tpu.memory_space<hbm>>
    tpu.wait_dma2 semaphore(%arg15 : memref<!tpu.dma_semaphore, #tpu.memory_space<semaphore_mem>>) src(%arg7 : memref<4x8x768xf32, #tpu.memory_space<vmem>>) dst(%dma_wait3A_74 : memref<4x8x768xf32, #tpu.memory_space<hbm>>)
    %dma_start3A_75 = arith.constant 40 : i32
    %dma_start3A_76 = tpu.memref_slice %arg5[%dma_start3A_75] : memref<64xi32, #tpu.memory_space<vmem>> -> memref<4xi32, #tpu.memory_space<vmem>>
    %dma_start3A_77 = arith.constant 0 : i32
    %dma_start3A_78 = arith.constant 0 : i32
    %dma_start3A_79 = arith.constant 0 : i32
    %dma_start3A_80 = tpu.memref_slice %arg2[%dma_start3A_77, %dma_start3A_78, %dma_start3A_79] : memref<256x8x768xf32, #tpu.memory_space<hbm>> -> memref<256x8x768xf32, #tpu.memory_space<hbm>>
    tpu.enqueue_indirect_dma source(%dma_start3A_80 : memref<256x8x768xf32, #tpu.memory_space<hbm>>) target(%arg7 : memref<4x8x768xf32, #tpu.memory_space<vmem>>) offsets(%dma_start3A_76 : memref<4xi32, #tpu.memory_space<vmem>>) semaphore(%arg11 : memref<!tpu.dma_semaphore, #tpu.memory_space<semaphore_mem>>)
    %dma_wait3A_81 = arith.constant 16 : i32
    %dma_wait3A_82 = tpu.memref_slice %arg5[%dma_wait3A_81] : memref<64xi32, #tpu.memory_space<vmem>> -> memref<4xi32, #tpu.memory_space<vmem>>
    %dma_wait3A_83 = arith.constant 0 : i32
    %dma_wait3A_84 = arith.constant 0 : i32
    %dma_wait3A_85 = arith.constant 0 : i32
    %dma_wait3A_86 = tpu.memref_slice %arg2[%dma_wait3A_83, %dma_wait3A_84, %dma_wait3A_85] : memref<256x8x768xf32, #tpu.memory_space<hbm>> -> memref<256x8x768xf32, #tpu.memory_space<hbm>>
    tpu.wait_indirect_dma semaphore(%arg12 : memref<!tpu.dma_semaphore, #tpu.memory_space<semaphore_mem>>) src(%dma_wait3A_86 : memref<256x8x768xf32, #tpu.memory_space<hbm>>) dst(%arg8 : memref<4x8x768xf32, #tpu.memory_space<vmem>>)
    %add3A_87 = arith.constant 8 : i32
    %add3A_88 = arith.addi %mul3A_2, %add3A_87 : i32
    %dma_start3A_89 = arith.constant 0 : i32
    %dma_start3A_90 = arith.constant 0 : i32
    %dma_start3A_91 = tpu.memref_slice %arg4[%add3A_88, %dma_start3A_89, %dma_start3A_90] : memref<1024x8x768xf32, #tpu.memory_space<hbm>> -> memref<4x8x768xf32, #tpu.memory_space<hbm>>
    %dma_start3A_92 = arith.constant 0 : i32
    %dma_start3A_93 = arith.constant 0 : i32
    %dma_start3A_94 = tpu.memref_slice %arg4[%add3A_88, %dma_start3A_92, %dma_start3A_93] : memref<1024x8x768xf32, #tpu.memory_space<hbm>> -> memref<4x8x768xf32, #tpu.memory_space<hbm>>
    tpu.enqueue_dma source(%arg8 : memref<4x8x768xf32, #tpu.memory_space<vmem>>) target(%dma_start3A_94 : memref<4x8x768xf32, #tpu.memory_space<hbm>>) target_semaphore(%arg16 : memref<!tpu.dma_semaphore, #tpu.memory_space<semaphore_mem>>)
    %dma_wait3A_95 = arith.constant 0 : i32
    %dma_wait3A_96 = arith.constant 0 : i32
    %dma_wait3A_97 = tpu.memref_slice %arg4[%add3A_88, %dma_wait3A_95, %dma_wait3A_96] : memref<1024x8x768xf32, #tpu.memory_space<hbm>> -> memref<4x8x768xf32, #tpu.memory_space<hbm>>
    %dma_wait3A_98 = arith.constant 0 : i32
    %dma_wait3A_99 = arith.constant 0 : i32
    %dma_wait3A_100 = tpu.memref_slice %arg4[%add3A_88, %dma_wait3A_98, %dma_wait3A_99] : memref<1024x8x768xf32, #tpu.memory_space<hbm>> -> memref<4x8x768xf32, #tpu.memory_space<hbm>>
    tpu.wait_dma2 semaphore(%arg16 : memref<!tpu.dma_semaphore, #tpu.memory_space<semaphore_mem>>) src(%arg8 : memref<4x8x768xf32, #tpu.memory_space<vmem>>) dst(%dma_wait3A_100 : memref<4x8x768xf32, #tpu.memory_space<hbm>>)
    %dma_start3A_101 = arith.constant 48 : i32
    %dma_start3A_102 = tpu.memref_slice %arg5[%dma_start3A_101] : memref<64xi32, #tpu.memory_space<vmem>> -> memref<4xi32, #tpu.memory_space<vmem>>
    %dma_start3A_103 = arith.constant 0 : i32
    %dma_start3A_104 = arith.constant 0 : i32
    %dma_start3A_105 = arith.constant 0 : i32
    %dma_start3A_106 = tpu.memref_slice %arg2[%dma_start3A_103, %dma_start3A_104, %dma_start3A_105] : memref<256x8x768xf32, #tpu.memory_space<hbm>> -> memref<256x8x768xf32, #tpu.memory_space<hbm>>
    tpu.enqueue_indirect_dma source(%dma_start3A_106 : memref<256x8x768xf32, #tpu.memory_space<hbm>>) target(%arg8 : memref<4x8x768xf32, #tpu.memory_space<vmem>>) offsets(%dma_start3A_102 : memref<4xi32, #tpu.memory_space<vmem>>) semaphore(%arg12 : memref<!tpu.dma_semaphore, #tpu.memory_space<semaphore_mem>>)
    %dma_wait3A_107 = arith.constant 24 : i32
    %dma_wait3A_108 = tpu.memref_slice %arg5[%dma_wait3A_107] : memref<64xi32, #tpu.memory_space<vmem>> -> memref<4xi32, #tpu.memory_space<vmem>>
    %dma_wait3A_109 = arith.constant 0 : i32
    %dma_wait3A_110 = arith.constant 0 : i32
    %dma_wait3A_111 = arith.constant 0 : i32
    %dma_wait3A_112 = tpu.memref_slice %arg2[%dma_wait3A_109, %dma_wait3A_110, %dma_wait3A_111] : memref<256x8x768xf32, #tpu.memory_space<hbm>> -> memref<256x8x768xf32, #tpu.memory_space<hbm>>
    tpu.wait_indirect_dma semaphore(%arg13 : memref<!tpu.dma_semaphore, #tpu.memory_space<semaphore_mem>>) src(%dma_wait3A_112 : memref<256x8x768xf32, #tpu.memory_space<hbm>>) dst(%arg9 : memref<4x8x768xf32, #tpu.memory_space<vmem>>)
    %add3A_113 = arith.constant 12 : i32
    %add3A_114 = arith.addi %mul3A_2, %add3A_113 : i32
    %dma_start3A_115 = arith.constant 0 : i32
    %dma_start3A_116 = arith.constant 0 : i32
    %dma_start3A_117 = tpu.memref_slice %arg4[%add3A_114, %dma_start3A_115, %dma_start3A_116] : memref<1024x8x768xf32, #tpu.memory_space<hbm>> -> memref<4x8x768xf32, #tpu.memory_space<hbm>>
    %dma_start3A_118 = arith.constant 0 : i32
    %dma_start3A_119 = arith.constant 0 : i32
    %dma_start3A_120 = tpu.memref_slice %arg4[%add3A_114, %dma_start3A_118, %dma_start3A_119] : memref<1024x8x768xf32, #tpu.memory_space<hbm>> -> memref<4x8x768xf32, #tpu.memory_space<hbm>>
    tpu.enqueue_dma source(%arg9 : memref<4x8x768xf32, #tpu.memory_space<vmem>>) target(%dma_start3A_120 : memref<4x8x768xf32, #tpu.memory_space<hbm>>) target_semaphore(%arg17 : memref<!tpu.dma_semaphore, #tpu.memory_space<semaphore_mem>>)
    %dma_wait3A_121 = arith.constant 0 : i32
    %dma_wait3A_122 = arith.constant 0 : i32
    %dma_wait3A_123 = tpu.memref_slice %arg4[%add3A_114, %dma_wait3A_121, %dma_wait3A_122] : memref<1024x8x768xf32, #tpu.memory_space<hbm>> -> memref<4x8x768xf32, #tpu.memory_space<hbm>>
    %dma_wait3A_124 = arith.constant 0 : i32
    %dma_wait3A_125 = arith.constant 0 : i32
    %dma_wait3A_126 = tpu.memref_slice %arg4[%add3A_114, %dma_wait3A_124, %dma_wait3A_125] : memref<1024x8x768xf32, #tpu.memory_space<hbm>> -> memref<4x8x768xf32, #tpu.memory_space<hbm>>
    tpu.wait_dma2 semaphore(%arg17 : memref<!tpu.dma_semaphore, #tpu.memory_space<semaphore_mem>>) src(%arg9 : memref<4x8x768xf32, #tpu.memory_space<vmem>>) dst(%dma_wait3A_126 : memref<4x8x768xf32, #tpu.memory_space<hbm>>)
    %dma_start3A_127 = arith.constant 56 : i32
    %dma_start3A_128 = tpu.memref_slice %arg5[%dma_start3A_127] : memref<64xi32, #tpu.memory_space<vmem>> -> memref<4xi32, #tpu.memory_space<vmem>>
    %dma_start3A_129 = arith.constant 0 : i32
    %dma_start3A_130 = arith.constant 0 : i32
    %dma_start3A_131 = arith.constant 0 : i32
    %dma_start3A_132 = tpu.memref_slice %arg2[%dma_start3A_129, %dma_start3A_130, %dma_start3A_131] : memref<256x8x768xf32, #tpu.memory_space<hbm>> -> memref<256x8x768xf32, #tpu.memory_space<hbm>>
    tpu.enqueue_indirect_dma source(%dma_start3A_132 : memref<256x8x768xf32, #tpu.memory_space<hbm>>) target(%arg9 : memref<4x8x768xf32, #tpu.memory_space<vmem>>) offsets(%dma_start3A_128 : memref<4xi32, #tpu.memory_space<vmem>>) semaphore(%arg13 : memref<!tpu.dma_semaphore, #tpu.memory_space<semaphore_mem>>)
    %dma_wait3A_133 = arith.constant 32 : i32
    %dma_wait3A_134 = tpu.memref_slice %arg5[%dma_wait3A_133] : memref<64xi32, #tpu.memory_space<vmem>> -> memref<4xi32, #tpu.memory_space<vmem>>
    %dma_wait3A_135 = arith.constant 0 : i32
    %dma_wait3A_136 = arith.constant 0 : i32
    %dma_wait3A_137 = arith.constant 0 : i32
    %dma_wait3A_138 = tpu.memref_slice %arg2[%dma_wait3A_135, %dma_wait3A_136, %dma_wait3A_137] : memref<256x8x768xf32, #tpu.memory_space<hbm>> -> memref<256x8x768xf32, #tpu.memory_space<hbm>>
    tpu.wait_indirect_dma semaphore(%arg10 : memref<!tpu.dma_semaphore, #tpu.memory_space<semaphore_mem>>) src(%dma_wait3A_138 : memref<256x8x768xf32, #tpu.memory_space<hbm>>) dst(%arg6 : memref<4x8x768xf32, #tpu.memory_space<vmem>>)
    %add3A_139 = arith.constant 16 : i32
    %add3A_140 = arith.addi %mul3A_2, %add3A_139 : i32
    %dma_start3A_141 = arith.constant 0 : i32
    %dma_start3A_142 = arith.constant 0 : i32
    %dma_start3A_143 = tpu.memref_slice %arg4[%add3A_140, %dma_start3A_141, %dma_start3A_142] : memref<1024x8x768xf32, #tpu.memory_space<hbm>> -> memref<4x8x768xf32, #tpu.memory_space<hbm>>
    %dma_start3A_144 = arith.constant 0 : i32
    %dma_start3A_145 = arith.constant 0 : i32
    %dma_start3A_146 = tpu.memref_slice %arg4[%add3A_140, %dma_start3A_144, %dma_start3A_145] : memref<1024x8x768xf32, #tpu.memory_space<hbm>> -> memref<4x8x768xf32, #tpu.memory_space<hbm>>
    tpu.enqueue_dma source(%arg6 : memref<4x8x768xf32, #tpu.memory_space<vmem>>) target(%dma_start3A_146 : memref<4x8x768xf32, #tpu.memory_space<hbm>>) target_semaphore(%arg14 : memref<!tpu.dma_semaphore, #tpu.memory_space<semaphore_mem>>)
    %dma_wait3A_147 = arith.constant 40 : i32
    %dma_wait3A_148 = tpu.memref_slice %arg5[%dma_wait3A_147] : memref<64xi32, #tpu.memory_space<vmem>> -> memref<4xi32, #tpu.memory_space<vmem>>
    %dma_wait3A_149 = arith.constant 0 : i32
    %dma_wait3A_150 = arith.constant 0 : i32
    %dma_wait3A_151 = arith.constant 0 : i32
    %dma_wait3A_152 = tpu.memref_slice %arg2[%dma_wait3A_149, %dma_wait3A_150, %dma_wait3A_151] : memref<256x8x768xf32, #tpu.memory_space<hbm>> -> memref<256x8x768xf32, #tpu.memory_space<hbm>>
    tpu.wait_indirect_dma semaphore(%arg11 : memref<!tpu.dma_semaphore, #tpu.memory_space<semaphore_mem>>) src(%dma_wait3A_152 : memref<256x8x768xf32, #tpu.memory_space<hbm>>) dst(%arg7 : memref<4x8x768xf32, #tpu.memory_space<vmem>>)
    %add3A_153 = arith.constant 20 : i32
    %add3A_154 = arith.addi %mul3A_2, %add3A_153 : i32
    %dma_start3A_155 = arith.constant 0 : i32
    %dma_start3A_156 = arith.constant 0 : i32
    %dma_start3A_157 = tpu.memref_slice %arg4[%add3A_154, %dma_start3A_155, %dma_start3A_156] : memref<1024x8x768xf32, #tpu.memory_space<hbm>> -> memref<4x8x768xf32, #tpu.memory_space<hbm>>
    %dma_start3A_158 = arith.constant 0 : i32
    %dma_start3A_159 = arith.constant 0 : i32
    %dma_start3A_160 = tpu.memref_slice %arg4[%add3A_154, %dma_start3A_158, %dma_start3A_159] : memref<1024x8x768xf32, #tpu.memory_space<hbm>> -> memref<4x8x768xf32, #tpu.memory_space<hbm>>
    tpu.enqueue_dma source(%arg7 : memref<4x8x768xf32, #tpu.memory_space<vmem>>) target(%dma_start3A_160 : memref<4x8x768xf32, #tpu.memory_space<hbm>>) target_semaphore(%arg15 : memref<!tpu.dma_semaphore, #tpu.memory_space<semaphore_mem>>)
    %dma_wait3A_161 = arith.constant 48 : i32
    %dma_wait3A_162 = tpu.memref_slice %arg5[%dma_wait3A_161] : memref<64xi32, #tpu.memory_space<vmem>> -> memref<4xi32, #tpu.memory_space<vmem>>
    %dma_wait3A_163 = arith.constant 0 : i32
    %dma_wait3A_164 = arith.constant 0 : i32
    %dma_wait3A_165 = arith.constant 0 : i32
    %dma_wait3A_166 = tpu.memref_slice %arg2[%dma_wait3A_163, %dma_wait3A_164, %dma_wait3A_165] : memref<256x8x768xf32, #tpu.memory_space<hbm>> -> memref<256x8x768xf32, #tpu.memory_space<hbm>>
    tpu.wait_indirect_dma semaphore(%arg12 : memref<!tpu.dma_semaphore, #tpu.memory_space<semaphore_mem>>) src(%dma_wait3A_166 : memref<256x8x768xf32, #tpu.memory_space<hbm>>) dst(%arg8 : memref<4x8x768xf32, #tpu.memory_space<vmem>>)
    %add3A_167 = arith.constant 24 : i32
    %add3A_168 = arith.addi %mul3A_2, %add3A_167 : i32
    %dma_start3A_169 = arith.constant 0 : i32
    %dma_start3A_170 = arith.constant 0 : i32
    %dma_start3A_171 = tpu.memref_slice %arg4[%add3A_168, %dma_start3A_169, %dma_start3A_170] : memref<1024x8x768xf32, #tpu.memory_space<hbm>> -> memref<4x8x768xf32, #tpu.memory_space<hbm>>
    %dma_start3A_172 = arith.constant 0 : i32
    %dma_start3A_173 = arith.constant 0 : i32
    %dma_start3A_174 = tpu.memref_slice %arg4[%add3A_168, %dma_start3A_172, %dma_start3A_173] : memref<1024x8x768xf32, #tpu.memory_space<hbm>> -> memref<4x8x768xf32, #tpu.memory_space<hbm>>
    tpu.enqueue_dma source(%arg8 : memref<4x8x768xf32, #tpu.memory_space<vmem>>) target(%dma_start3A_174 : memref<4x8x768xf32, #tpu.memory_space<hbm>>) target_semaphore(%arg16 : memref<!tpu.dma_semaphore, #tpu.memory_space<semaphore_mem>>)
    %dma_wait3A_175 = arith.constant 56 : i32
    %dma_wait3A_176 = tpu.memref_slice %arg5[%dma_wait3A_175] : memref<64xi32, #tpu.memory_space<vmem>> -> memref<4xi32, #tpu.memory_space<vmem>>
    %dma_wait3A_177 = arith.constant 0 : i32
    %dma_wait3A_178 = arith.constant 0 : i32
    %dma_wait3A_179 = arith.constant 0 : i32
    %dma_wait3A_180 = tpu.memref_slice %arg2[%dma_wait3A_177, %dma_wait3A_178, %dma_wait3A_179] : memref<256x8x768xf32, #tpu.memory_space<hbm>> -> memref<256x8x768xf32, #tpu.memory_space<hbm>>
    tpu.wait_indirect_dma semaphore(%arg13 : memref<!tpu.dma_semaphore, #tpu.memory_space<semaphore_mem>>) src(%dma_wait3A_180 : memref<256x8x768xf32, #tpu.memory_space<hbm>>) dst(%arg9 : memref<4x8x768xf32, #tpu.memory_space<vmem>>)
    %add3A_181 = arith.constant 28 : i32
    %add3A_182 = arith.addi %mul3A_2, %add3A_181 : i32
    %dma_start3A_183 = arith.constant 0 : i32
    %dma_start3A_184 = arith.constant 0 : i32
    %dma_start3A_185 = tpu.memref_slice %arg4[%add3A_182, %dma_start3A_183, %dma_start3A_184] : memref<1024x8x768xf32, #tpu.memory_space<hbm>> -> memref<4x8x768xf32, #tpu.memory_space<hbm>>
    %dma_start3A_186 = arith.constant 0 : i32
    %dma_start3A_187 = arith.constant 0 : i32
    %dma_start3A_188 = tpu.memref_slice %arg4[%add3A_182, %dma_start3A_186, %dma_start3A_187] : memref<1024x8x768xf32, #tpu.memory_space<hbm>> -> memref<4x8x768xf32, #tpu.memory_space<hbm>>
    tpu.enqueue_dma source(%arg9 : memref<4x8x768xf32, #tpu.memory_space<vmem>>) target(%dma_start3A_188 : memref<4x8x768xf32, #tpu.memory_space<hbm>>) target_semaphore(%arg17 : memref<!tpu.dma_semaphore, #tpu.memory_space<semaphore_mem>>)
    %dma_wait3A_189 = arith.constant 0 : i32
    %dma_wait3A_190 = arith.constant 0 : i32
    %dma_wait3A_191 = tpu.memref_slice %arg4[%add3A_140, %dma_wait3A_189, %dma_wait3A_190] : memref<1024x8x768xf32, #tpu.memory_space<hbm>> -> memref<4x8x768xf32, #tpu.memory_space<hbm>>
    %dma_wait3A_192 = arith.constant 0 : i32
    %dma_wait3A_193 = arith.constant 0 : i32
    %dma_wait3A_194 = tpu.memref_slice %arg4[%add3A_140, %dma_wait3A_192, %dma_wait3A_193] : memref<1024x8x768xf32, #tpu.memory_space<hbm>> -> memref<4x8x768xf32, #tpu.memory_space<hbm>>
    tpu.wait_dma2 semaphore(%arg14 : memref<!tpu.dma_semaphore, #tpu.memory_space<semaphore_mem>>) src(%arg6 : memref<4x8x768xf32, #tpu.memory_space<vmem>>) dst(%dma_wait3A_194 : memref<4x8x768xf32, #tpu.memory_space<hbm>>)
    %dma_wait3A_195 = arith.constant 0 : i32
    %dma_wait3A_196 = arith.constant 0 : i32
    %dma_wait3A_197 = tpu.memref_slice %arg4[%add3A_154, %dma_wait3A_195, %dma_wait3A_196] : memref<1024x8x768xf32, #tpu.memory_space<hbm>> -> memref<4x8x768xf32, #tpu.memory_space<hbm>>
    %dma_wait3A_198 = arith.constant 0 : i32
    %dma_wait3A_199 = arith.constant 0 : i32
    %dma_wait3A_200 = tpu.memref_slice %arg4[%add3A_154, %dma_wait3A_198, %dma_wait3A_199] : memref<1024x8x768xf32, #tpu.memory_space<hbm>> -> memref<4x8x768xf32, #tpu.memory_space<hbm>>
    tpu.wait_dma2 semaphore(%arg15 : memref<!tpu.dma_semaphore, #tpu.memory_space<semaphore_mem>>) src(%arg7 : memref<4x8x768xf32, #tpu.memory_space<vmem>>) dst(%dma_wait3A_200 : memref<4x8x768xf32, #tpu.memory_space<hbm>>)
    %dma_wait3A_201 = arith.constant 0 : i32
    %dma_wait3A_202 = arith.constant 0 : i32
    %dma_wait3A_203 = tpu.memref_slice %arg4[%add3A_168, %dma_wait3A_201, %dma_wait3A_202] : memref<1024x8x768xf32, #tpu.memory_space<hbm>> -> memref<4x8x768xf32, #tpu.memory_space<hbm>>
    %dma_wait3A_204 = arith.constant 0 : i32
    %dma_wait3A_205 = arith.constant 0 : i32
    %dma_wait3A_206 = tpu.memref_slice %arg4[%add3A_168, %dma_wait3A_204, %dma_wait3A_205] : memref<1024x8x768xf32, #tpu.memory_space<hbm>> -> memref<4x8x768xf32, #tpu.memory_space<hbm>>
    tpu.wait_dma2 semaphore(%arg16 : memref<!tpu.dma_semaphore, #tpu.memory_space<semaphore_mem>>) src(%arg8 : memref<4x8x768xf32, #tpu.memory_space<vmem>>) dst(%dma_wait3A_206 : memref<4x8x768xf32, #tpu.memory_space<hbm>>)
    %dma_wait3A_207 = arith.constant 0 : i32
    %dma_wait3A_208 = arith.constant 0 : i32
    %dma_wait3A_209 = tpu.memref_slice %arg4[%add3A_182, %dma_wait3A_207, %dma_wait3A_208] : memref<1024x8x768xf32, #tpu.memory_space<hbm>> -> memref<4x8x768xf32, #tpu.memory_space<hbm>>
    %dma_wait3A_210 = arith.constant 0 : i32
    %dma_wait3A_211 = arith.constant 0 : i32
    %dma_wait3A_212 = tpu.memref_slice %arg4[%add3A_182, %dma_wait3A_210, %dma_wait3A_211] : memref<1024x8x768xf32, #tpu.memory_space<hbm>> -> memref<4x8x768xf32, #tpu.memory_space<hbm>>
    tpu.wait_dma2 semaphore(%arg17 : memref<!tpu.dma_semaphore, #tpu.memory_space<semaphore_mem>>) src(%arg9 : memref<4x8x768xf32, #tpu.memory_space<vmem>>) dst(%dma_wait3A_212 : memref<4x8x768xf32, #tpu.memory_space<hbm>>)
    return
  }
}

module attributes {stable_mosaic.version = 14 : i64} {
  func.func @_topk_body(%arg0: memref<128x768xf32, #tpu.memory_space<vmem>>, %arg1: memref<256x768xf32, #tpu.memory_space<vmem>>, %arg2: memref<128x1xf32, #tpu.memory_space<vmem>>, %arg3: memref<1x256xf32, #tpu.memory_space<vmem>>, %arg4: memref<128x8xf32, #tpu.memory_space<vmem>>, %arg5: memref<128x8xi32, #tpu.memory_space<vmem>>) attributes {dimension_semantics = [], scalar_prefetch = 0 : i64, scratch_operands = 0 : i64, tpu.core_type = #tpu.core_type<tc>} {
    %get3A = arith.constant 0 : index
    %get3A_0 = arith.constant 0 : index
    %get3A_1 = vector.load %arg0[%get3A, %get3A_0] : memref<128x768xf32, #tpu.memory_space<vmem>>, vector<128x768xf32>
    %get3A_2 = arith.constant 0 : index
    %get3A_3 = arith.constant 0 : index
    %get3A_4 = vector.load %arg1[%get3A_2, %get3A_3] : memref<256x768xf32, #tpu.memory_space<vmem>>, vector<256x768xf32>
    %dot_general3A = arith.constant dense<0.000000e+00> : vector<128x256xf32>
    %dot_general3A_5 = tpu.matmul %get3A_1, %get3A_4, %dot_general3A {dimension_numbers = #tpu.dot_dimension_numbers<[1], [1], [0], [0], [0, 0, 1, 0], [], []>, transpose_lhs_hint = false} : vector<128x768xf32>, vector<256x768xf32>, vector<128x256xf32> -> vector<128x256xf32>
    %get3A_6 = arith.constant 0 : index
    %get3A_7 = arith.constant 0 : index
    %get3A_8 = vector.load %arg2[%get3A_6, %get3A_7] : memref<128x1xf32, #tpu.memory_space<vmem>>, vector<128x1xf32>
    %get3A_9 = arith.constant 0 : index
    %get3A_10 = arith.constant 0 : index
    %get3A_11 = vector.load %arg3[%get3A_9, %get3A_10] : memref<1x256xf32, #tpu.memory_space<vmem>>, vector<1x256xf32>
    %mul3A = vector.broadcast %get3A_8 : vector<128x1xf32> to vector<128x256xf32>
    %mul3A_12 = vector.broadcast %get3A_11 : vector<1x256xf32> to vector<128x256xf32>
    %mul3A_13 = arith.mulf %mul3A, %mul3A_12 : vector<128x256xf32>
    %div3A = arith.divf %dot_general3A_5, %mul3A_13 : vector<128x256xf32>
    %sub3A = arith.constant 1.000000e+00 : f32
    %sub3A_14 = vector.broadcast %sub3A : f32 to vector<128x256xf32>
    %sub3A_15 = arith.subf %sub3A_14, %div3A : vector<128x256xf32>
    %iota3A = tpu.iota {dimensions = array<i32: 1>} : vector<128x256xi32>
    %convert_element_type3A = arith.sitofp %iota3A : vector<128x256xi32> to vector<128x256xf32>
    %iota3A_16 = tpu.iota {dimensions = array<i32: 1>} : vector<128x8xi32>
    %broadcast_in_dim3A = arith.constant 0.000000e+00 : f32
    %broadcast_in_dim3A_17 = vector.broadcast %broadcast_in_dim3A : f32 to vector<128x8xf32>
    %broadcast_in_dim3A_18 = arith.constant 0.000000e+00 : f32
    %broadcast_in_dim3A_19 = vector.broadcast %broadcast_in_dim3A_18 : f32 to vector<128x8xf32>
    %reduce_min3A = arith.constant dense<0x7F800000> : vector<128xf32>
    %reduce_min3A_20 = vector.multi_reduction <minimumf>, %sub3A_15, %reduce_min3A [1] : vector<128x256xf32> to vector<128xf32>
    %broadcast_in_dim3A_21 = vector.shape_cast %reduce_min3A_20 : vector<128xf32> to vector<128x1xf32>
    %eq3A = vector.broadcast %broadcast_in_dim3A_21 : vector<128x1xf32> to vector<128x256xf32>
    %eq3A_22 = arith.cmpf oeq, %sub3A_15, %eq3A : vector<128x256xf32>
    %jit3A = arith.constant 2.560000e+02 : f32
    %broadcast_in_dim3A_23 = vector.broadcast %jit3A : f32 to vector<128x256xf32>
    %select_n3A = arith.select %eq3A_22, %convert_element_type3A, %broadcast_in_dim3A_23 : vector<128x256xi1>, vector<128x256xf32>
    %reduce_min3A_24 = arith.constant dense<0x7F800000> : vector<128xf32>
    %reduce_min3A_25 = vector.multi_reduction <minimumf>, %select_n3A, %reduce_min3A_24 [1] : vector<128x256xf32> to vector<128xf32>
    %broadcast_in_dim3A_26 = vector.shape_cast %reduce_min3A_25 : vector<128xf32> to vector<128x1xf32>
    %eq3A_27 = arith.constant 0 : i32
    %eq3A_28 = vector.broadcast %eq3A_27 : i32 to vector<128x8xi32>
    %eq3A_29 = arith.cmpi eq, %iota3A_16, %eq3A_28 : vector<128x8xi32>
    %broadcast_in_dim3A_30 = vector.shape_cast %broadcast_in_dim3A_21 : vector<128x1xf32> to vector<128x1xf32>
    %broadcast_in_dim3A_31 = vector.broadcast %broadcast_in_dim3A_30 : vector<128x1xf32> to vector<128x8xf32>
    %select_n3A_32 = arith.select %eq3A_29, %broadcast_in_dim3A_31, %broadcast_in_dim3A_17 : vector<128x8xi1>, vector<128x8xf32>
    %eq3A_33 = arith.constant 0 : i32
    %eq3A_34 = vector.broadcast %eq3A_33 : i32 to vector<128x8xi32>
    %eq3A_35 = arith.cmpi eq, %iota3A_16, %eq3A_34 : vector<128x8xi32>
    %broadcast_in_dim3A_36 = vector.shape_cast %broadcast_in_dim3A_26 : vector<128x1xf32> to vector<128x1xf32>
    %broadcast_in_dim3A_37 = vector.broadcast %broadcast_in_dim3A_36 : vector<128x1xf32> to vector<128x8xf32>
    %select_n3A_38 = arith.select %eq3A_35, %broadcast_in_dim3A_37, %broadcast_in_dim3A_19 : vector<128x8xi1>, vector<128x8xf32>
    %eq3A_39 = vector.broadcast %broadcast_in_dim3A_26 : vector<128x1xf32> to vector<128x256xf32>
    %eq3A_40 = arith.cmpf oeq, %convert_element_type3A, %eq3A_39 : vector<128x256xf32>
    %jit3A_41 = arith.constant 0x7F800000 : f32
    %broadcast_in_dim3A_42 = vector.broadcast %jit3A_41 : f32 to vector<128x256xf32>
    %select_n3A_43 = arith.select %eq3A_40, %broadcast_in_dim3A_42, %sub3A_15 : vector<128x256xi1>, vector<128x256xf32>
    %reduce_min3A_44 = arith.constant dense<0x7F800000> : vector<128xf32>
    %reduce_min3A_45 = vector.multi_reduction <minimumf>, %select_n3A_43, %reduce_min3A_44 [1] : vector<128x256xf32> to vector<128xf32>
    %broadcast_in_dim3A_46 = vector.shape_cast %reduce_min3A_45 : vector<128xf32> to vector<128x1xf32>
    %eq3A_47 = vector.broadcast %broadcast_in_dim3A_46 : vector<128x1xf32> to vector<128x256xf32>
    %eq3A_48 = arith.cmpf oeq, %select_n3A_43, %eq3A_47 : vector<128x256xf32>
    %jit3A_49 = arith.constant 2.560000e+02 : f32
    %broadcast_in_dim3A_50 = vector.broadcast %jit3A_49 : f32 to vector<128x256xf32>
    %select_n3A_51 = arith.select %eq3A_48, %convert_element_type3A, %broadcast_in_dim3A_50 : vector<128x256xi1>, vector<128x256xf32>
    %reduce_min3A_52 = arith.constant dense<0x7F800000> : vector<128xf32>
    %reduce_min3A_53 = vector.multi_reduction <minimumf>, %select_n3A_51, %reduce_min3A_52 [1] : vector<128x256xf32> to vector<128xf32>
    %broadcast_in_dim3A_54 = vector.shape_cast %reduce_min3A_53 : vector<128xf32> to vector<128x1xf32>
    %eq3A_55 = arith.constant 1 : i32
    %eq3A_56 = vector.broadcast %eq3A_55 : i32 to vector<128x8xi32>
    %eq3A_57 = arith.cmpi eq, %iota3A_16, %eq3A_56 : vector<128x8xi32>
    %broadcast_in_dim3A_58 = vector.shape_cast %broadcast_in_dim3A_46 : vector<128x1xf32> to vector<128x1xf32>
    %broadcast_in_dim3A_59 = vector.broadcast %broadcast_in_dim3A_58 : vector<128x1xf32> to vector<128x8xf32>
    %select_n3A_60 = arith.select %eq3A_57, %broadcast_in_dim3A_59, %select_n3A_32 : vector<128x8xi1>, vector<128x8xf32>
    %eq3A_61 = arith.constant 1 : i32
    %eq3A_62 = vector.broadcast %eq3A_61 : i32 to vector<128x8xi32>
    %eq3A_63 = arith.cmpi eq, %iota3A_16, %eq3A_62 : vector<128x8xi32>
    %broadcast_in_dim3A_64 = vector.shape_cast %broadcast_in_dim3A_54 : vector<128x1xf32> to vector<128x1xf32>
    %broadcast_in_dim3A_65 = vector.broadcast %broadcast_in_dim3A_64 : vector<128x1xf32> to vector<128x8xf32>
    %select_n3A_66 = arith.select %eq3A_63, %broadcast_in_dim3A_65, %select_n3A_38 : vector<128x8xi1>, vector<128x8xf32>
    %eq3A_67 = vector.broadcast %broadcast_in_dim3A_54 : vector<128x1xf32> to vector<128x256xf32>
    %eq3A_68 = arith.cmpf oeq, %convert_element_type3A, %eq3A_67 : vector<128x256xf32>
    %jit3A_69 = arith.constant 0x7F800000 : f32
    %broadcast_in_dim3A_70 = vector.broadcast %jit3A_69 : f32 to vector<128x256xf32>
    %select_n3A_71 = arith.select %eq3A_68, %broadcast_in_dim3A_70, %select_n3A_43 : vector<128x256xi1>, vector<128x256xf32>
    %reduce_min3A_72 = arith.constant dense<0x7F800000> : vector<128xf32>
    %reduce_min3A_73 = vector.multi_reduction <minimumf>, %select_n3A_71, %reduce_min3A_72 [1] : vector<128x256xf32> to vector<128xf32>
    %broadcast_in_dim3A_74 = vector.shape_cast %reduce_min3A_73 : vector<128xf32> to vector<128x1xf32>
    %eq3A_75 = vector.broadcast %broadcast_in_dim3A_74 : vector<128x1xf32> to vector<128x256xf32>
    %eq3A_76 = arith.cmpf oeq, %select_n3A_71, %eq3A_75 : vector<128x256xf32>
    %jit3A_77 = arith.constant 2.560000e+02 : f32
    %broadcast_in_dim3A_78 = vector.broadcast %jit3A_77 : f32 to vector<128x256xf32>
    %select_n3A_79 = arith.select %eq3A_76, %convert_element_type3A, %broadcast_in_dim3A_78 : vector<128x256xi1>, vector<128x256xf32>
    %reduce_min3A_80 = arith.constant dense<0x7F800000> : vector<128xf32>
    %reduce_min3A_81 = vector.multi_reduction <minimumf>, %select_n3A_79, %reduce_min3A_80 [1] : vector<128x256xf32> to vector<128xf32>
    %broadcast_in_dim3A_82 = vector.shape_cast %reduce_min3A_81 : vector<128xf32> to vector<128x1xf32>
    %eq3A_83 = arith.constant 2 : i32
    %eq3A_84 = vector.broadcast %eq3A_83 : i32 to vector<128x8xi32>
    %eq3A_85 = arith.cmpi eq, %iota3A_16, %eq3A_84 : vector<128x8xi32>
    %broadcast_in_dim3A_86 = vector.shape_cast %broadcast_in_dim3A_74 : vector<128x1xf32> to vector<128x1xf32>
    %broadcast_in_dim3A_87 = vector.broadcast %broadcast_in_dim3A_86 : vector<128x1xf32> to vector<128x8xf32>
    %select_n3A_88 = arith.select %eq3A_85, %broadcast_in_dim3A_87, %select_n3A_60 : vector<128x8xi1>, vector<128x8xf32>
    %eq3A_89 = arith.constant 2 : i32
    %eq3A_90 = vector.broadcast %eq3A_89 : i32 to vector<128x8xi32>
    %eq3A_91 = arith.cmpi eq, %iota3A_16, %eq3A_90 : vector<128x8xi32>
    %broadcast_in_dim3A_92 = vector.shape_cast %broadcast_in_dim3A_82 : vector<128x1xf32> to vector<128x1xf32>
    %broadcast_in_dim3A_93 = vector.broadcast %broadcast_in_dim3A_92 : vector<128x1xf32> to vector<128x8xf32>
    %select_n3A_94 = arith.select %eq3A_91, %broadcast_in_dim3A_93, %select_n3A_66 : vector<128x8xi1>, vector<128x8xf32>
    %eq3A_95 = vector.broadcast %broadcast_in_dim3A_82 : vector<128x1xf32> to vector<128x256xf32>
    %eq3A_96 = arith.cmpf oeq, %convert_element_type3A, %eq3A_95 : vector<128x256xf32>
    %jit3A_97 = arith.constant 0x7F800000 : f32
    %broadcast_in_dim3A_98 = vector.broadcast %jit3A_97 : f32 to vector<128x256xf32>
    %select_n3A_99 = arith.select %eq3A_96, %broadcast_in_dim3A_98, %select_n3A_71 : vector<128x256xi1>, vector<128x256xf32>
    %reduce_min3A_100 = arith.constant dense<0x7F800000> : vector<128xf32>
    %reduce_min3A_101 = vector.multi_reduction <minimumf>, %select_n3A_99, %reduce_min3A_100 [1] : vector<128x256xf32> to vector<128xf32>
    %broadcast_in_dim3A_102 = vector.shape_cast %reduce_min3A_101 : vector<128xf32> to vector<128x1xf32>
    %eq3A_103 = vector.broadcast %broadcast_in_dim3A_102 : vector<128x1xf32> to vector<128x256xf32>
    %eq3A_104 = arith.cmpf oeq, %select_n3A_99, %eq3A_103 : vector<128x256xf32>
    %jit3A_105 = arith.constant 2.560000e+02 : f32
    %broadcast_in_dim3A_106 = vector.broadcast %jit3A_105 : f32 to vector<128x256xf32>
    %select_n3A_107 = arith.select %eq3A_104, %convert_element_type3A, %broadcast_in_dim3A_106 : vector<128x256xi1>, vector<128x256xf32>
    %reduce_min3A_108 = arith.constant dense<0x7F800000> : vector<128xf32>
    %reduce_min3A_109 = vector.multi_reduction <minimumf>, %select_n3A_107, %reduce_min3A_108 [1] : vector<128x256xf32> to vector<128xf32>
    %broadcast_in_dim3A_110 = vector.shape_cast %reduce_min3A_109 : vector<128xf32> to vector<128x1xf32>
    %eq3A_111 = arith.constant 3 : i32
    %eq3A_112 = vector.broadcast %eq3A_111 : i32 to vector<128x8xi32>
    %eq3A_113 = arith.cmpi eq, %iota3A_16, %eq3A_112 : vector<128x8xi32>
    %broadcast_in_dim3A_114 = vector.shape_cast %broadcast_in_dim3A_102 : vector<128x1xf32> to vector<128x1xf32>
    %broadcast_in_dim3A_115 = vector.broadcast %broadcast_in_dim3A_114 : vector<128x1xf32> to vector<128x8xf32>
    %select_n3A_116 = arith.select %eq3A_113, %broadcast_in_dim3A_115, %select_n3A_88 : vector<128x8xi1>, vector<128x8xf32>
    %eq3A_117 = arith.constant 3 : i32
    %eq3A_118 = vector.broadcast %eq3A_117 : i32 to vector<128x8xi32>
    %eq3A_119 = arith.cmpi eq, %iota3A_16, %eq3A_118 : vector<128x8xi32>
    %broadcast_in_dim3A_120 = vector.shape_cast %broadcast_in_dim3A_110 : vector<128x1xf32> to vector<128x1xf32>
    %broadcast_in_dim3A_121 = vector.broadcast %broadcast_in_dim3A_120 : vector<128x1xf32> to vector<128x8xf32>
    %select_n3A_122 = arith.select %eq3A_119, %broadcast_in_dim3A_121, %select_n3A_94 : vector<128x8xi1>, vector<128x8xf32>
    %eq3A_123 = vector.broadcast %broadcast_in_dim3A_110 : vector<128x1xf32> to vector<128x256xf32>
    %eq3A_124 = arith.cmpf oeq, %convert_element_type3A, %eq3A_123 : vector<128x256xf32>
    %jit3A_125 = arith.constant 0x7F800000 : f32
    %broadcast_in_dim3A_126 = vector.broadcast %jit3A_125 : f32 to vector<128x256xf32>
    %select_n3A_127 = arith.select %eq3A_124, %broadcast_in_dim3A_126, %select_n3A_99 : vector<128x256xi1>, vector<128x256xf32>
    %reduce_min3A_128 = arith.constant dense<0x7F800000> : vector<128xf32>
    %reduce_min3A_129 = vector.multi_reduction <minimumf>, %select_n3A_127, %reduce_min3A_128 [1] : vector<128x256xf32> to vector<128xf32>
    %broadcast_in_dim3A_130 = vector.shape_cast %reduce_min3A_129 : vector<128xf32> to vector<128x1xf32>
    %eq3A_131 = vector.broadcast %broadcast_in_dim3A_130 : vector<128x1xf32> to vector<128x256xf32>
    %eq3A_132 = arith.cmpf oeq, %select_n3A_127, %eq3A_131 : vector<128x256xf32>
    %jit3A_133 = arith.constant 2.560000e+02 : f32
    %broadcast_in_dim3A_134 = vector.broadcast %jit3A_133 : f32 to vector<128x256xf32>
    %select_n3A_135 = arith.select %eq3A_132, %convert_element_type3A, %broadcast_in_dim3A_134 : vector<128x256xi1>, vector<128x256xf32>
    %reduce_min3A_136 = arith.constant dense<0x7F800000> : vector<128xf32>
    %reduce_min3A_137 = vector.multi_reduction <minimumf>, %select_n3A_135, %reduce_min3A_136 [1] : vector<128x256xf32> to vector<128xf32>
    %broadcast_in_dim3A_138 = vector.shape_cast %reduce_min3A_137 : vector<128xf32> to vector<128x1xf32>
    %eq3A_139 = arith.constant 4 : i32
    %eq3A_140 = vector.broadcast %eq3A_139 : i32 to vector<128x8xi32>
    %eq3A_141 = arith.cmpi eq, %iota3A_16, %eq3A_140 : vector<128x8xi32>
    %broadcast_in_dim3A_142 = vector.shape_cast %broadcast_in_dim3A_130 : vector<128x1xf32> to vector<128x1xf32>
    %broadcast_in_dim3A_143 = vector.broadcast %broadcast_in_dim3A_142 : vector<128x1xf32> to vector<128x8xf32>
    %select_n3A_144 = arith.select %eq3A_141, %broadcast_in_dim3A_143, %select_n3A_116 : vector<128x8xi1>, vector<128x8xf32>
    %eq3A_145 = arith.constant 4 : i32
    %eq3A_146 = vector.broadcast %eq3A_145 : i32 to vector<128x8xi32>
    %eq3A_147 = arith.cmpi eq, %iota3A_16, %eq3A_146 : vector<128x8xi32>
    %broadcast_in_dim3A_148 = vector.shape_cast %broadcast_in_dim3A_138 : vector<128x1xf32> to vector<128x1xf32>
    %broadcast_in_dim3A_149 = vector.broadcast %broadcast_in_dim3A_148 : vector<128x1xf32> to vector<128x8xf32>
    %select_n3A_150 = arith.select %eq3A_147, %broadcast_in_dim3A_149, %select_n3A_122 : vector<128x8xi1>, vector<128x8xf32>
    %eq3A_151 = vector.broadcast %broadcast_in_dim3A_138 : vector<128x1xf32> to vector<128x256xf32>
    %eq3A_152 = arith.cmpf oeq, %convert_element_type3A, %eq3A_151 : vector<128x256xf32>
    %jit3A_153 = arith.constant 0x7F800000 : f32
    %broadcast_in_dim3A_154 = vector.broadcast %jit3A_153 : f32 to vector<128x256xf32>
    %select_n3A_155 = arith.select %eq3A_152, %broadcast_in_dim3A_154, %select_n3A_127 : vector<128x256xi1>, vector<128x256xf32>
    %reduce_min3A_156 = arith.constant dense<0x7F800000> : vector<128xf32>
    %reduce_min3A_157 = vector.multi_reduction <minimumf>, %select_n3A_155, %reduce_min3A_156 [1] : vector<128x256xf32> to vector<128xf32>
    %broadcast_in_dim3A_158 = vector.shape_cast %reduce_min3A_157 : vector<128xf32> to vector<128x1xf32>
    %eq3A_159 = vector.broadcast %broadcast_in_dim3A_158 : vector<128x1xf32> to vector<128x256xf32>
    %eq3A_160 = arith.cmpf oeq, %select_n3A_155, %eq3A_159 : vector<128x256xf32>
    %jit3A_161 = arith.constant 2.560000e+02 : f32
    %broadcast_in_dim3A_162 = vector.broadcast %jit3A_161 : f32 to vector<128x256xf32>
    %select_n3A_163 = arith.select %eq3A_160, %convert_element_type3A, %broadcast_in_dim3A_162 : vector<128x256xi1>, vector<128x256xf32>
    %reduce_min3A_164 = arith.constant dense<0x7F800000> : vector<128xf32>
    %reduce_min3A_165 = vector.multi_reduction <minimumf>, %select_n3A_163, %reduce_min3A_164 [1] : vector<128x256xf32> to vector<128xf32>
    %broadcast_in_dim3A_166 = vector.shape_cast %reduce_min3A_165 : vector<128xf32> to vector<128x1xf32>
    %eq3A_167 = arith.constant 5 : i32
    %eq3A_168 = vector.broadcast %eq3A_167 : i32 to vector<128x8xi32>
    %eq3A_169 = arith.cmpi eq, %iota3A_16, %eq3A_168 : vector<128x8xi32>
    %broadcast_in_dim3A_170 = vector.shape_cast %broadcast_in_dim3A_158 : vector<128x1xf32> to vector<128x1xf32>
    %broadcast_in_dim3A_171 = vector.broadcast %broadcast_in_dim3A_170 : vector<128x1xf32> to vector<128x8xf32>
    %select_n3A_172 = arith.select %eq3A_169, %broadcast_in_dim3A_171, %select_n3A_144 : vector<128x8xi1>, vector<128x8xf32>
    %eq3A_173 = arith.constant 5 : i32
    %eq3A_174 = vector.broadcast %eq3A_173 : i32 to vector<128x8xi32>
    %eq3A_175 = arith.cmpi eq, %iota3A_16, %eq3A_174 : vector<128x8xi32>
    %broadcast_in_dim3A_176 = vector.shape_cast %broadcast_in_dim3A_166 : vector<128x1xf32> to vector<128x1xf32>
    %broadcast_in_dim3A_177 = vector.broadcast %broadcast_in_dim3A_176 : vector<128x1xf32> to vector<128x8xf32>
    %select_n3A_178 = arith.select %eq3A_175, %broadcast_in_dim3A_177, %select_n3A_150 : vector<128x8xi1>, vector<128x8xf32>
    %eq3A_179 = vector.broadcast %broadcast_in_dim3A_166 : vector<128x1xf32> to vector<128x256xf32>
    %eq3A_180 = arith.cmpf oeq, %convert_element_type3A, %eq3A_179 : vector<128x256xf32>
    %jit3A_181 = arith.constant 0x7F800000 : f32
    %broadcast_in_dim3A_182 = vector.broadcast %jit3A_181 : f32 to vector<128x256xf32>
    %select_n3A_183 = arith.select %eq3A_180, %broadcast_in_dim3A_182, %select_n3A_155 : vector<128x256xi1>, vector<128x256xf32>
    %reduce_min3A_184 = arith.constant dense<0x7F800000> : vector<128xf32>
    %reduce_min3A_185 = vector.multi_reduction <minimumf>, %select_n3A_183, %reduce_min3A_184 [1] : vector<128x256xf32> to vector<128xf32>
    %broadcast_in_dim3A_186 = vector.shape_cast %reduce_min3A_185 : vector<128xf32> to vector<128x1xf32>
    %eq3A_187 = vector.broadcast %broadcast_in_dim3A_186 : vector<128x1xf32> to vector<128x256xf32>
    %eq3A_188 = arith.cmpf oeq, %select_n3A_183, %eq3A_187 : vector<128x256xf32>
    %jit3A_189 = arith.constant 2.560000e+02 : f32
    %broadcast_in_dim3A_190 = vector.broadcast %jit3A_189 : f32 to vector<128x256xf32>
    %select_n3A_191 = arith.select %eq3A_188, %convert_element_type3A, %broadcast_in_dim3A_190 : vector<128x256xi1>, vector<128x256xf32>
    %reduce_min3A_192 = arith.constant dense<0x7F800000> : vector<128xf32>
    %reduce_min3A_193 = vector.multi_reduction <minimumf>, %select_n3A_191, %reduce_min3A_192 [1] : vector<128x256xf32> to vector<128xf32>
    %broadcast_in_dim3A_194 = vector.shape_cast %reduce_min3A_193 : vector<128xf32> to vector<128x1xf32>
    %eq3A_195 = arith.constant 6 : i32
    %eq3A_196 = vector.broadcast %eq3A_195 : i32 to vector<128x8xi32>
    %eq3A_197 = arith.cmpi eq, %iota3A_16, %eq3A_196 : vector<128x8xi32>
    %broadcast_in_dim3A_198 = vector.shape_cast %broadcast_in_dim3A_186 : vector<128x1xf32> to vector<128x1xf32>
    %broadcast_in_dim3A_199 = vector.broadcast %broadcast_in_dim3A_198 : vector<128x1xf32> to vector<128x8xf32>
    %select_n3A_200 = arith.select %eq3A_197, %broadcast_in_dim3A_199, %select_n3A_172 : vector<128x8xi1>, vector<128x8xf32>
    %eq3A_201 = arith.constant 6 : i32
    %eq3A_202 = vector.broadcast %eq3A_201 : i32 to vector<128x8xi32>
    %eq3A_203 = arith.cmpi eq, %iota3A_16, %eq3A_202 : vector<128x8xi32>
    %broadcast_in_dim3A_204 = vector.shape_cast %broadcast_in_dim3A_194 : vector<128x1xf32> to vector<128x1xf32>
    %broadcast_in_dim3A_205 = vector.broadcast %broadcast_in_dim3A_204 : vector<128x1xf32> to vector<128x8xf32>
    %select_n3A_206 = arith.select %eq3A_203, %broadcast_in_dim3A_205, %select_n3A_178 : vector<128x8xi1>, vector<128x8xf32>
    %eq3A_207 = vector.broadcast %broadcast_in_dim3A_194 : vector<128x1xf32> to vector<128x256xf32>
    %eq3A_208 = arith.cmpf oeq, %convert_element_type3A, %eq3A_207 : vector<128x256xf32>
    %jit3A_209 = arith.constant 0x7F800000 : f32
    %broadcast_in_dim3A_210 = vector.broadcast %jit3A_209 : f32 to vector<128x256xf32>
    %select_n3A_211 = arith.select %eq3A_208, %broadcast_in_dim3A_210, %select_n3A_183 : vector<128x256xi1>, vector<128x256xf32>
    %reduce_min3A_212 = arith.constant dense<0x7F800000> : vector<128xf32>
    %reduce_min3A_213 = vector.multi_reduction <minimumf>, %select_n3A_211, %reduce_min3A_212 [1] : vector<128x256xf32> to vector<128xf32>
    %broadcast_in_dim3A_214 = vector.shape_cast %reduce_min3A_213 : vector<128xf32> to vector<128x1xf32>
    %eq3A_215 = vector.broadcast %broadcast_in_dim3A_214 : vector<128x1xf32> to vector<128x256xf32>
    %eq3A_216 = arith.cmpf oeq, %select_n3A_211, %eq3A_215 : vector<128x256xf32>
    %jit3A_217 = arith.constant 2.560000e+02 : f32
    %broadcast_in_dim3A_218 = vector.broadcast %jit3A_217 : f32 to vector<128x256xf32>
    %select_n3A_219 = arith.select %eq3A_216, %convert_element_type3A, %broadcast_in_dim3A_218 : vector<128x256xi1>, vector<128x256xf32>
    %reduce_min3A_220 = arith.constant dense<0x7F800000> : vector<128xf32>
    %reduce_min3A_221 = vector.multi_reduction <minimumf>, %select_n3A_219, %reduce_min3A_220 [1] : vector<128x256xf32> to vector<128xf32>
    %broadcast_in_dim3A_222 = vector.shape_cast %reduce_min3A_221 : vector<128xf32> to vector<128x1xf32>
    %eq3A_223 = arith.constant 7 : i32
    %eq3A_224 = vector.broadcast %eq3A_223 : i32 to vector<128x8xi32>
    %eq3A_225 = arith.cmpi eq, %iota3A_16, %eq3A_224 : vector<128x8xi32>
    %broadcast_in_dim3A_226 = vector.shape_cast %broadcast_in_dim3A_214 : vector<128x1xf32> to vector<128x1xf32>
    %broadcast_in_dim3A_227 = vector.broadcast %broadcast_in_dim3A_226 : vector<128x1xf32> to vector<128x8xf32>
    %select_n3A_228 = arith.select %eq3A_225, %broadcast_in_dim3A_227, %select_n3A_200 : vector<128x8xi1>, vector<128x8xf32>
    %eq3A_229 = arith.constant 7 : i32
    %eq3A_230 = vector.broadcast %eq3A_229 : i32 to vector<128x8xi32>
    %eq3A_231 = arith.cmpi eq, %iota3A_16, %eq3A_230 : vector<128x8xi32>
    %broadcast_in_dim3A_232 = vector.shape_cast %broadcast_in_dim3A_222 : vector<128x1xf32> to vector<128x1xf32>
    %broadcast_in_dim3A_233 = vector.broadcast %broadcast_in_dim3A_232 : vector<128x1xf32> to vector<128x8xf32>
    %select_n3A_234 = arith.select %eq3A_231, %broadcast_in_dim3A_233, %select_n3A_206 : vector<128x8xi1>, vector<128x8xf32>
    %swap3A = arith.constant 0 : index
    %swap3A_235 = arith.constant 0 : index
    %swap3A_236 = vector.load %arg4[%swap3A, %swap3A_235] : memref<128x8xf32, #tpu.memory_space<vmem>>, vector<128x8xf32>
    tpu.vector_store %arg4[%swap3A, %swap3A_235], %select_n3A_228 {strides = array<i32>} : memref<128x8xf32, #tpu.memory_space<vmem>>, vector<128x8xf32>,
    %convert_element_type3A_237 = arith.fptosi %select_n3A_234 : vector<128x8xf32> to vector<128x8xi32>
    %swap3A_238 = arith.constant 0 : index
    %swap3A_239 = arith.constant 0 : index
    %swap3A_240 = vector.load %arg5[%swap3A_238, %swap3A_239] : memref<128x8xi32, #tpu.memory_space<vmem>>, vector<128x8xi32>
    tpu.vector_store %arg5[%swap3A_238, %swap3A_239], %convert_element_type3A_237 {strides = array<i32>} : memref<128x8xi32, #tpu.memory_space<vmem>>, vector<128x8xi32>,
    return
  }
}

</mosaic_0001>

<sc_bundles>
// kernel: kernel.4.cloned.1.call-start
scs
__scs_entry_jumppad:
0x0: {  	(pc) =	sbr.rel $0x88, $3  }
0x1: {  	(tag) =	ssettag $0x0;
	lr =	simm.s32 $0x1  }
0x2: {  	[smem:$0x3F9E] =	sst lr;
	_ =	strace $0xD0000000  }
0x3: {  	_ = 	snop  }
0x4: {  	_ = 	snop  }
0x5: {  	_ = 	snop  }
0x6: {  	_ = 	snop  }
0x7: {  	_ = 	snop  }
__scs_overlays_trampoline_lowered:
0x8: {  	[smem:$0x3FAD] =	sst s0  }
0x9: {  	[smem:$0x3FAE] =	sst s1  }
0xa: {  	[smem:$0x3FAF] =	sst s2  }
0xb: {  	[smem:$0x3FB0] =	sst s3  }
0xc: {  	[smem:$0x3FB1] =	sst s4  }
0xd: {  	[smem:$0x3FB2] =	sst s5  }
0xe: {  	[smem:$0x3FB3] =	sst s6  }
0xf: {  	[smem:$0x3FB4] =	sst s7  }
0x10: {  	[smem:$0x3FB5] =	sst s8  }
0x11: {  	[smem:$0x3FB6] =	sst s9;
	s0 =	simm.s32 @!p0 $0x0  }
0x12: {  	s1 =	sld [smem:$0x3F9C];
	s0 =	simm.s32 @p0 $0x1  }
0x13: {  	[smem:$0x3FB7] =	sst s0;
	s0 =	simm.s32 @!p1 $0x0  }
0x14: {  	s2 =	sld [smem:$0x3F9B];
	s0 =	simm.s32 @p1 $0x1  }
0x15: {  	[smem:$0x3FB8] =	sst s0;
	s0 =	simm.s32 @!p2 $0x0  }
0x16: {  	s3 =	sld [smem:$0x3FDB];
	s0 =	simm.s32 @p2 $0x1  }
0x17: {  	s4 =	simm.s32 $0x1BF5;
	[smem:$0x3FBA] =	sst s0  }
0x18: {  	s0 =	sld [smem:$0x3F9D];
	_ =	swait.ge [sflag:s4], $0x0  }
0x19: {  	s7 =	sld [smem:$0x3F9E]  }
0x1a: {  	s8 =	sadd.s32 $0xFFFFE003, lr  }
0x1b: {  	s9 =	sadd.s32 $0xFFFFFEF7, lr;
	s5 =	simm.s32 $0xFFFFFFFF;
	p2 =	slt.u32 s8, $0xFFFFF086  }
0x1c: {  	p1 =	slt.u32 s9, $0xF7A;
	s5 =	simm.s32 @!p2 $0x0  }
0x1d: {  	s5 =	simm.s32 @p1 $0x1;
	p0 =	seq.s32 s7, s2  }
0x1e: {  	s7 =	smul.u32 @!p0 $0xF7A, s2;
	p2 =	seq.s32 @!p0 s5, $0x0  }
0x1f: {  	s9 =	smul.u32 $0xF7A, s1;
	s8 =	simm.s32 @!p0 $0x1BF5;
	p2 =	por !p2, p0  }
0x20: {  	[sflag:s8] =	ssyncset.s32 @!p0 $0xFFFFF086;
	s6 =	sadd.s32 @!p0 s3, s7;
	s7 =	simm.s32 @!p0 $0x108  }
0x21: {  	s3 =	sadd.s32 s3, s9;
	s6 =	sadd.s32 @!p0 $0x88, s6;
	s7 =	simm.s32 @p2 $0x1082  }
0x22: {  	[simem:s7], [sflag:s8] =	dma.local @!p0 [hbm:s6], $0xF7A  }
0x23: {  	s9 =	sor.u32 $0xD0000000, s2;
	s6 =	simm.s32 $0x108;
	_ =	swait.ge @!p0 [sflag:s8], $0x0  }
0x24: {  	s3 =	sadd.s32 $0x88, s3;
	s6 =	simm.s32 @!p1 $0x1082;
	[sflag:s4] =	ssyncset.s32 $0xFFFFF086  }
0x25: {  	[simem:s6], [sflag:s4] =	dma.local [hbm:s3], $0xF7A  }
0x26: {  	[smem:$0x3F9E] =	sst s1;
	(tag) =	ssettag s2;
	_ =	strace s9  }
0x27: {  	s1 =	sld [smem:$0x3FAE]  }
0x28: {  	s2 =	sld [smem:$0x3FAF]  }
0x29: {  	s4 =	sld [smem:$0x3FB1]  }
0x2a: {  	p0 =	seq.s32 s5, $0x0;
	s5 =	sld [smem:$0x3FB2]  }
0x2b: {  	s6 =	sld [smem:$0x3FB3]  }
0x2c: {  	s7 =	sld [smem:$0x3FB4]  }
0x2d: {  	s3 =	simm.s32 $0x108;
	s8 =	sld [smem:$0x3FB5]  }
0x2e: {  	s3 =	simm.s32 @!p0 $0x1082;
	s9 =	sld [smem:$0x3FB6]  }
0x2f: {  	lr =	sadd.s32 s0, s3;
	s0 =	sld [smem:$0x3FAD]  }
0x30: {  	s3 =	sld [smem:$0x3FB0]  }
0x31: {  	[smem:$0x3FB9] =	sst s10  }
0x32: {  	s10 =	sld [smem:$0x3FB7];
	_ =	sdelay $0x3  }
0x33: {  	p0 =	seq.s32 s10, $0x1;
	s10 =	sld [smem:$0x3FB9];
	_ =	sdelay $0x3  }
0x34: {  	[smem:$0x3FB9] =	sst s10  }
0x35: {  	s10 =	sld [smem:$0x3FB8];
	_ =	sdelay $0x3  }
0x36: {  	p1 =	seq.s32 s10, $0x1;
	s10 =	sld [smem:$0x3FB9];
	_ =	sdelay $0x3  }
0x37: {  	[smem:$0x3FB9] =	sst s10  }
0x38: {  	s10 =	sld [smem:$0x3FBA]  }
0x39: {  	_ = 	snop;
	(pc) =	sbr.ind lr, $3  }
0x3a: {  	_ = 	snop  }
0x3b: {  	_ = 	snop  }
0x3c: {  	p2 =	seq.s32 s10, $0x1;
	s10 =	sld [smem:$0x3FB9]  }
0x3d: {  	_ =	shalt  }
0x3e: {  	_ =	shalt  }
0x3f: {  	_ =	shalt  }
0x40: {  	_ =	shalt  }
0x41: {  	_ =	shalt  }
0x42: {  	_ =	shalt  }
0x43: {  	_ =	shalt  }
0x44: {  	_ =	shalt  }
0x45: {  	_ =	shalt  }
0x46: {  	_ =	shalt  }
0x47: {  	_ =	shalt  }
0x48: {  	_ =	shalt  }
0x49: {  	_ =	shalt  }
0x4a: {  	_ =	shalt  }
0x4b: {  	_ =	shalt  }
0x4c: {  	_ =	shalt  }
0x4d: {  	_ =	shalt  }
0x4e: {  	_ =	shalt  }
0x4f: {  	_ =	shalt  }
0x50: {  	_ =	shalt  }
0x51: {  	_ =	shalt  }
0x52: {  	_ =	shalt  }
0x53: {  	_ =	shalt  }
0x54: {  	_ =	shalt  }
0x55: {  	_ =	shalt  }
0x56: {  	_ =	shalt  }
0x57: {  	_ =	shalt  }
0x58: {  	_ =	shalt  }
0x59: {  	_ =	shalt  }
0x5a: {  	_ =	shalt  }
0x5b: {  	_ =	shalt  }
0x5c: {  	_ =	shalt  }
0x5d: {  	_ =	shalt  }
0x5e: {  	_ =	shalt  }
0x5f: {  	_ =	shalt  }
0x60: {  	_ =	shalt  }
0x61: {  	_ =	shalt  }
0x62: {  	_ =	shalt  }
0x63: {  	_ =	shalt  }
0x64: {  	_ =	shalt  }
0x65: {  	_ =	shalt  }
0x66: {  	_ =	shalt  }
0x67: {  	_ =	shalt  }
0x68: {  	_ =	shalt  }
0x69: {  	_ =	shalt  }
0x6a: {  	_ =	shalt  }
0x6b: {  	_ =	shalt  }
0x6c: {  	_ =	shalt  }
0x6d: {  	_ =	shalt  }
0x6e: {  	_ =	shalt  }
0x6f: {  	_ =	shalt  }
0x70: {  	_ =	shalt  }
0x71: {  	_ =	shalt  }
0x72: {  	_ =	shalt  }
0x73: {  	_ =	shalt  }
0x74: {  	_ =	shalt  }
0x75: {  	_ =	shalt  }
0x76: {  	_ =	shalt  }
0x77: {  	_ =	shalt  }
0x78: {  	_ =	shalt  }
0x79: {  	_ =	shalt  }
0x7a: {  	_ =	shalt  }
0x7b: {  	_ =	shalt  }
0x7c: {  	_ =	shalt  }
0x7d: {  	_ =	shalt  }
0x7e: {  	_ =	shalt  }
0x7f: {  	_ =	shalt  }
0x80: {  	_ =	shalt  }
0x81: {  	_ =	shalt  }
0x82: {  	_ =	shalt  }
0x83: {  	_ =	shalt  }
0x84: {  	_ =	shalt  }
0x85: {  	_ =	shalt  }
0x86: {  	_ =	shalt  }
0x87: {  	_ =	shalt  }
.Lfunc_end0:
.L_simem_size_0:
called_computation_lowered:
.L_overlay_start_0:
0x88: {  	s2 =	sld [smem:$0x3FD9]  }
0x89: {  	s3 =	sld [smem:$0x3FFE];
	_ =	sdelay $0x1  }
0x8a: {  	s1 =	srdreg.scid  }
0x8b: {  	s0 =	sand.u32 $0x1, s1  }
0x8c: {  	s14 =	sshll.u32 s0, $0xA;
	s2 =	sadd.s32 s3, s2  }
0x8d: {  	s2 =	sadd.s32 s2, s14  }
0x8e: {  	[smem:$0x3FC5] =	sst s2  }
0x8f: {  	_ = 	snop  }
0x90: {  	s2 =	sld [smem:$0x3FD0];
	_ =	sdelay $0x2  }
0x91: {  	s4 =	simm.s32 $0xA;
	s5 =	simm.s32 $0x10;
	s15 =	sld [smem:$0x3FC7]  }
0x92: {  	[smem:s5], [sflag:s4] =	dma.local [hbm:s2], $0x1  }
0x93: {  	_ =	swait.eq [sflag:s4], $0x1  }
0x94: {  	[sflag:s4] =	ssyncset.done $0x0  }
0x95: {  	[sflag:s4] =	ssyncadd.s32 $0xFFFFFFFF  }
0x96: {  	s16 =	sld [smem:$0x11];
	(tm) =	ssettm $0x1  }
0x97: {  	s17 =	sld [smem:$0x3FFB];
	_ =	sdelay $0x3  }
0x98: {  	_ =	strace s17  }
0x99: {  	s4 =	sld [smem:$0x3FFC];
	_ =	sdelay $0x3  }
0x9a: {  	_ =	strace s4  }
0x9b: {  	s4 =	sld [smem:$0x3FFD];
	_ =	sdelay $0x3  }
0x9c: {  	_ =	strace s4  }
0x9d: {  	_ =	strace $0x8FFFFFFF  }
0x9e: {  	s18 =	sld [smem:$0x3FDB];
	_ =	sdelay $0x1  }
0x9f: {  	s19 =	simm.s32 $_scs_section_size  }
0xa0: {  	s6 =	simm.s32 $_size__tile_overlayer_lowered;
	s7 =	simm.s32 $_tile_overlayer_lowered  }
0xa1: {  	s22 =	simm.s32 $0x1BFF;
	s21 =	sshll.u32 s7, $0x1;
	s4 =	sadd.s32 s19, s18  }
0xa2: {  	s8 =	simm.s32 $0x0;
	s20 =	sshll.u32 s6, $0x1;
	s6 =	sadd.s32 s21, s4  }
0xa3: {  	[timem:s8], [sflag:s22] =	dma.local [hbm:s6], s20  }
0xa4: {  	_ =	swait.ge [sflag:s22], s20  }
0xa5: {  	s5 =	ssub.s32 $0x0, s20;
	[sflag:s22] =	ssyncset.done $0x0  }
0xa6: {  	[sflag:s22] =	ssyncadd.s32 s5;
	_ =	sdelay $0x1  }
0xa7: {  	s23 =	simm.s32 $0x1B8B  }
0xa8: {  	_ =	swait.ge [sflag:s23], $0x1  }
0xa9: {  	[sflag:s23] =	ssyncset.done $0x0  }
0xaa: {  	s25 =	simm.s32 $0x1B8E;
	s24 =	sld [smem:$0x3FFE];
	[sflag:s23] =	ssyncadd.s32 $0xFFFFFFFF  }
0xab: {  	s26 =	simm.s32 $execute0_lowered;
	[smem:$0x3FD2] =	sst s25  }
0xac: {  	s6 =	sshll.u32 s26, $0x1;
	_ =	strace $0x80000046;
	[dreg:$0x1] =	wrdreg $0xFFFFFFFF  }
0xad: {  	s28 =	simm.s32 $_size_execute0_lowered;
	s4 =	sadd.s32 s4, s6;
	[dreg:$0x0] =	wrdreg $0x0  }
0xae: {  	s6 =	sshll.u32 s28, $0x1;
	[dreg:$0x2] =	wrdreg s4  }
0xaf: {  	[dreg:$0x3] =	wrdreg s6  }
0xb0: {  	[dreg:$0x4] =	wrdreg $0xC0  }
0xb1: {  	_ =	task [dreg:s8], $0x5FFFF  }
0xb2: {  	[dreg:$0x1] =	wrdreg $0xFFFFFFFF  }
0xb3: {  	[dreg:$0x0] =	wrdreg $0x60  }
0xb4: {  	[dreg:$0x2] =	wrdreg s15  }
0xb5: {  	[dreg:$0x3] =	wrdreg s24  }
0xb6: {  	[dreg:$0x4] =	wrdreg s16  }
0xb7: {  	[dreg:$0x5] =	wrdreg $0x9  }
0xb8: {  	_ =	task.clear_ibuf [dreg:s8], $0x6FFFF;
	_ =	strace $0x90000046  }
0xb9: {  	s29 =	simm.s32 $0x9;
	_ =	strace $0x80000048  }
0xba: {  	_ =	swait.ge [sflag:s29], $0x1  }
0xbb: {  	[sflag:s29] =	ssyncadd.s32 $0xFFFFFFFF  }
0xbc: {  	_ =	strace $0x90000048  }
0xbd: {  	_ =	sfence  }
0xbe: {  	s30 =	sld [smem:$0x0];
	_ =	sdelay $0x2  }
0xbf: {  	s31 =	sshll.u32 s1, $0xD;
	s1 =	sshrl.u32 s1, $0x2  }
0xc0: {  	s3 =	sand.u32 $0x4000, s31;
	s1 =	sadd.s32 s1, s30  }
0xc1: {  	s0 =	sor.u32 s3, s0;
	s1 =	sshll.u32 s1, $0x11  }
0xc2: {  	s0 =	sor.u32 s1, s0  }
0xc3: {  	s0 =	sadd.s32 $0x8F2B, s0  }
0xc4: {  	[sflag:s0] =	ssyncadd.remote.s32 $0x1  }
0xc5: {  	_ =	sfence.sel $0xFFFF  }
0xc6: {  	[dreg:$0x0] =	wrdreg $0xFFFFFFFF;
	(pc) =	sbr.abs _section_cstart, $3  }
0xc7: {  	[dreg:$0x1] =	wrdreg $0xFFFFFFFF  }
0xc8: {  	_ =	task.clear_ibuf [dreg:s8], $0x2FFFF;
	_ =	strace $0x9FFFFFFF  }
0xc9: {  	(tm) =	ssettm $0x7FFFFFFF  }
tec
execute0_lowered:
.L_overlay_start_1:
0x0: {  	(tag) =	ssettag $0x1  }
0x1: {  	s1 =	rddreg [dreg:$0x0]  }
0x2: {  	s4 =	rddreg [dreg:$0x1]  }
0x3: {  	s2 =	srdreg.scid;
	s0 =	stileid.u32  }
0x4: {  	s6 =	rddreg [dreg:$0x2];
	s3 =	simm.s32 $0x0;
	s14 =	simm.s32 $0x9  }
0x5: {  	s15 =	simm.s32 $0x80;
	s16 =	simm.s32 $0x6080;
	s17 =	simm.s32 $0xC080  }
0x6: {  	s18 =	simm.s32 $0x12080;
	s19 =	simm.s32 $0x1;
	s20 =	simm.s32 $0x5  }
0x7: {  	s21 =	simm.s32 $0x2;
	s22 =	simm.s32 $0x6;
	s23 =	simm.s32 $0x3  }
0x8: {  	s24 =	simm.s32 $0x7;
	s5 =	sand.u32 $0x1, s2;
	s7 =	sshll.u32 s0, $0x1  }
0x9: {  	s25 =	simm.s32 $0x4;
	s26 =	simm.s32 $0x8;
	s7 =	sor.u32 s5, s7  }
0xa: {  	s2 =	rddreg [dreg:$0x3];
	s5 =	ssub.s32 $0x2, s5;
	s8 =	smul.u32 $0x30000, s7  }
0xb: {  	[smem:$0x7FF] =	sst s3;
	s9 =	sshrl.u32 s5, $0x1;
	s10 =	smul.u32 $0x6000, s7  }
0xc: {  	_ =	strace $0x80000047;
	s30 =	sshll.u32 s7, $0x3;
	s13 =	ssub.s32 s5, s9  }
0xd: {  	s4 =	sadd.s32 s4, s30;
	s31 =	sshrl.u32 s8, $0x3;
	s5 =	sadd.s32 s6, s10  }
0xe: {  	s13 =	smax.u32 s13, $0x1;
	s12 =	sadd.s32 s6, s31;
	s6 =	sadd.s32 $0xC00, s5  }
0xf: {  	s7 =	sadd.s32 $0x1800, s5;
	s8 =	sadd.s32 $0x2400, s12;
	s9 =	sadd.s32 $0x3000, s12  }
0x10: {  	vm0 =	vmmov $0xf;
	v0 =	vlaneseq.u32;
	s10 =	sadd.s32 $0x3C00, s12;
	s11 =	sadd.s32 $0x4800, s12;
	s12 =	sadd.s32 $0x5400, s12  }
.LBB2_1:
0x11: {  	[tilespmem:s3], [sflag:$0x9] =	stream.linear.gather [hbm4b:s4+s3], $0x40, $0x38;
	[tilespmem:$0x18080] =	vst v63  }
0x12: {  	_ =	swait.ge [sflag:s14], $0x40  }
0x13: {  	[sflag:s14] =	ssyncset.done $0x0  }
0x14: {  	[sflag:s14] =	ssyncadd.s32 $0xFFFFFFC0  }
0x15: {  	v1 =	vld.msk [tilespmem:$0x0], $0xf;
	_ =	sdelay $0x4  }
0x16: {  	v1 =	vmul.u32 $0x1800, v1;
	_ =	sdelay $0x1  }
0x17: {  	v1 =	vperm.xlane v1, v0;
	_ =	sdelay $0x5  }
0x18: {  	[tilespmem:s15], [sflag:$0x1] =	stream.indirect_vreg.gather [hbm4b:s1+s3], $0x1800, v1, vm0, $0x38;
	[tilespmem:$0x18080] =	vst v63  }
0x19: {  	v1 =	vld.msk [tilespmem:$0x8], $0xf;
	_ =	sdelay $0x4  }
0x1a: {  	v1 =	vmul.u32 $0x1800, v1;
	_ =	sdelay $0x1  }
0x1b: {  	v1 =	vperm.xlane v1, v0;
	_ =	sdelay $0x5  }
0x1c: {  	[tilespmem:s16], [sflag:$0x2] =	stream.indirect_vreg.gather [hbm4b:s1+s3], $0x1800, v1, vm0, $0x38;
	[tilespmem:$0x18080] =	vst v63  }
0x1d: {  	v1 =	vld.msk [tilespmem:$0x10], $0xf;
	_ =	sdelay $0x4  }
0x1e: {  	v1 =	vmul.u32 $0x1800, v1;
	_ =	sdelay $0x1  }
0x1f: {  	v1 =	vperm.xlane v1, v0;
	_ =	sdelay $0x5  }
0x20: {  	[tilespmem:s17], [sflag:$0x3] =	stream.indirect_vreg.gather [hbm4b:s1+s3], $0x1800, v1, vm0, $0x38;
	[tilespmem:$0x18080] =	vst v63  }
0x21: {  	v1 =	vld.msk [tilespmem:$0x18], $0xf;
	_ =	sdelay $0x4  }
0x22: {  	v1 =	vmul.u32 $0x1800, v1;
	_ =	sdelay $0x1  }
0x23: {  	v1 =	vperm.xlane v1, v0;
	_ =	sdelay $0x5  }
0x24: {  	[tilespmem:s18], [sflag:$0x4] =	stream.indirect_vreg.gather [hbm4b:s1+s3], $0x1800, v1, vm0, $0x38;
	[tilespmem:$0x18080] =	vst v63  }
0x25: {  	_ =	swait.ge [sflag:s19], $0x6000  }
0x26: {  	[sflag:s19] =	ssyncset.done $0x0  }
0x27: {  	[sflag:s19] =	ssyncadd.s32 $0xFFFFA000  }
0x28: {  	[hbm4b:s5+s3] =	stream.linear.scatter [tilespmem:s15], [sflag:$0x5], $0x6000, $0x38;
	[tilespmem:$0x18080] =	vst v63  }
0x29: {  	_ =	swait.ge [sflag:s20], $0x6000  }
0x2a: {  	[sflag:s20] =	ssyncset.done $0x0  }
0x2b: {  	[sflag:s20] =	ssyncadd.s32 $0xFFFFA000  }
0x2c: {  	v1 =	vld.msk [tilespmem:$0x20], $0xf;
	_ =	sdelay $0x4  }
0x2d: {  	v1 =	vmul.u32 $0x1800, v1;
	_ =	sdelay $0x1  }
0x2e: {  	v1 =	vperm.xlane v1, v0;
	_ =	sdelay $0x5  }
0x2f: {  	[tilespmem:s15], [sflag:$0x1] =	stream.indirect_vreg.gather [hbm4b:s1+s3], $0x1800, v1, vm0, $0x38;
	[tilespmem:$0x18080] =	vst v63  }
0x30: {  	_ =	swait.ge [sflag:s21], $0x6000  }
0x31: {  	[sflag:s21] =	ssyncset.done $0x0  }
0x32: {  	[sflag:s21] =	ssyncadd.s32 $0xFFFFA000  }
0x33: {  	[hbm4b:s6+s3] =	stream.linear.scatter [tilespmem:s16], [sflag:$0x6], $0x6000, $0x38;
	[tilespmem:$0x18080] =	vst v63  }
0x34: {  	_ =	swait.ge [sflag:s22], $0x6000  }
0x35: {  	[sflag:s22] =	ssyncset.done $0x0  }
0x36: {  	[sflag:s22] =	ssyncadd.s32 $0xFFFFA000  }
0x37: {  	v1 =	vld.msk [tilespmem:$0x28], $0xf;
	_ =	sdelay $0x4  }
0x38: {  	v1 =	vmul.u32 $0x1800, v1;
	_ =	sdelay $0x1  }
0x39: {  	v1 =	vperm.xlane v1, v0;
	_ =	sdelay $0x5  }
0x3a: {  	[tilespmem:s16], [sflag:$0x2] =	stream.indirect_vreg.gather [hbm4b:s1+s3], $0x1800, v1, vm0, $0x38;
	[tilespmem:$0x18080] =	vst v63  }
0x3b: {  	_ =	swait.ge [sflag:s23], $0x6000  }
0x3c: {  	[sflag:s23] =	ssyncset.done $0x0  }
0x3d: {  	[sflag:s23] =	ssyncadd.s32 $0xFFFFA000  }
0x3e: {  	[hbm4b:s7+s3] =	stream.linear.scatter [tilespmem:s17], [sflag:$0x7], $0x6000, $0x38;
	[tilespmem:$0x18080] =	vst v63  }
0x3f: {  	_ =	swait.ge [sflag:s24], $0x6000  }
0x40: {  	[sflag:s24] =	ssyncset.done $0x0  }
0x41: {  	[sflag:s24] =	ssyncadd.s32 $0xFFFFA000  }
0x42: {  	v1 =	vld.msk [tilespmem:$0x30], $0xf;
	_ =	sdelay $0x4  }
0x43: {  	v1 =	vmul.u32 $0x1800, v1;
	_ =	sdelay $0x1  }
0x44: {  	v1 =	vperm.xlane v1, v0;
	_ =	sdelay $0x5  }
0x45: {  	[tilespmem:s17], [sflag:$0x3] =	stream.indirect_vreg.gather [hbm4b:s1+s3], $0x1800, v1, vm0, $0x38;
	[tilespmem:$0x18080] =	vst v63  }
0x46: {  	_ =	swait.ge [sflag:s25], $0x6000  }
0x47: {  	[sflag:s25] =	ssyncset.done $0x0  }
0x48: {  	[sflag:s25] =	ssyncadd.s32 $0xFFFFA000  }
0x49: {  	[hbm4b:s8+s3] =	stream.linear.scatter [tilespmem:s18], [sflag:$0x8], $0x6000, $0x38;
	[tilespmem:$0x18080] =	vst v63  }
0x4a: {  	_ =	swait.ge [sflag:s26], $0x6000  }
0x4b: {  	[sflag:s26] =	ssyncset.done $0x0  }
0x4c: {  	[sflag:s26] =	ssyncadd.s32 $0xFFFFA000  }
0x4d: {  	v1 =	vld.msk [tilespmem:$0x38], $0xf;
	_ =	sdelay $0x4  }
0x4e: {  	v1 =	vmul.u32 $0x1800, v1;
	_ =	sdelay $0x1  }
0x4f: {  	v1 =	vperm.xlane v1, v0;
	_ =	sdelay $0x5  }
0x50: {  	[tilespmem:s18], [sflag:$0x4] =	stream.indirect_vreg.gather [hbm4b:s1+s3], $0x1800, v1, vm0, $0x38;
	[tilespmem:$0x18080] =	vst v63  }
0x51: {  	_ =	swait.ge [sflag:s19], $0x6000  }
0x52: {  	[sflag:s19] =	ssyncset.done $0x0  }
0x53: {  	[sflag:s19] =	ssyncadd.s32 $0xFFFFA000  }
0x54: {  	[hbm4b:s9+s3] =	stream.linear.scatter [tilespmem:s15], [sflag:$0x5], $0x6000, $0x38;
	[tilespmem:$0x18080] =	vst v63  }
0x55: {  	_ =	swait.ge [sflag:s21], $0x6000  }
0x56: {  	[sflag:s21] =	ssyncset.done $0x0  }
0x57: {  	[sflag:s21] =	ssyncadd.s32 $0xFFFFA000  }
0x58: {  	[hbm4b:s10+s3] =	stream.linear.scatter [tilespmem:s16], [sflag:$0x6], $0x6000, $0x38;
	[tilespmem:$0x18080] =	vst v63  }
0x59: {  	_ =	swait.ge [sflag:s23], $0x6000  }
0x5a: {  	[sflag:s23] =	ssyncset.done $0x0  }
0x5b: {  	[sflag:s23] =	ssyncadd.s32 $0xFFFFA000  }
0x5c: {  	[hbm4b:s11+s3] =	stream.linear.scatter [tilespmem:s17], [sflag:$0x7], $0x6000, $0x38;
	[tilespmem:$0x18080] =	vst v63  }
0x5d: {  	_ =	swait.ge [sflag:s25], $0x6000  }
0x5e: {  	[sflag:s25] =	ssyncset.done $0x0  }
0x5f: {  	[sflag:s25] =	ssyncadd.s32 $0xFFFFA000  }
0x60: {  	[hbm4b:s12+s3] =	stream.linear.scatter [tilespmem:s18], [sflag:$0x8], $0x6000, $0x38;
	[tilespmem:$0x18080] =	vst v63  }
0x61: {  	_ =	swait.ge [sflag:s20], $0x6000  }
0x62: {  	[sflag:s20] =	ssyncset.done $0x0  }
0x63: {  	[sflag:s20] =	ssyncadd.s32 $0xFFFFA000  }
0x64: {  	_ =	swait.ge [sflag:s22], $0x6000  }
0x65: {  	[sflag:s22] =	ssyncset.done $0x0  }
0x66: {  	[sflag:s22] =	ssyncadd.s32 $0xFFFFA000  }
0x67: {  	p0 =	sne.s32 s13, $0x1;
	_ =	swait.ge [sflag:s24], $0x6000  }
.Ltmp0:
0x68: {  	[sflag:s24] =	ssyncset.done $0x0;
	(pc) =	sbr.rel @p0 .LBB2_1-.Ltmp0, $4  }
0x69: {  	[sflag:s24] =	ssyncadd.s32 $0xFFFFA000  }
0x6a: {  	_ =	swait.ge [sflag:s26], $0x6000  }
0x6b: {  	[sflag:s26] =	ssyncset.done $0x0  }
0x6c: {  	s13 =	sadd.s32 $0xFFFFFFFF, s13;
	[sflag:s26] =	ssyncadd.s32 $0xFFFFA000  }
0x6d: {  	_ =	sfence.sel $0x180000  }
0x6e: {  	[bflag:$0x0] =	sbarrier.arrive $0xFFFF  }
0x6f: {  	p0 =	sne.s32 s0, $0x0;
	_ =	strace $0x90000047  }
0x70: {  	s0 =	sadd.s32 @!p0 $0x100000, s2;
	[bflag:$0x2] =	sbarrier.arrive $0xFFFF  }
0x71: {  	[sflag:s0] =	ssyncadd.tile.s32 @!p0 $0x1;
	_ =	shalt  }
.Lfunc_end2:
_tile_overlayer_lowered:
.L_overlay_start_2:
0x72: {  	(tag) =	ssettag $0x2  }
0x73: {  	s0 =	rddreg [dreg:$0x0];
	s2 =	stileid.u32  }
0x74: {  	s1 =	rddreg [dreg:$0x1];
	p0 =	sne.s32 s2, $0x0  }
0x75: {  	s3 =	rddreg [dreg:$0x2];
	[bflag:$0x3] =	sbarrier.arrive $0xFFFF;
	s2 =	simm.s32 @!p0 $0x1C09  }
0x76: {  	[timem:s3], [sflag:s2] =	dma.local @!p0 [hbm:s0], s1  }
0x77: {  	s0 =	simm.s32 @!p0 $0x9  }
0x78: {  	_ =	swait.ge @!p0 [sflag:s0], s1  }
0x79: {  	s1 =	ssub.s32 @!p0 $0x0, s1;
	[sflag:s0] =	ssyncset.done @!p0 $0x0  }
0x7a: {  	[sflag:s0] =	ssyncadd.s32 @!p0 s1  }
0x7b: {  	[bflag:$0x3] =	sbarrier.arrive $0xFFFF  }
0x7c: {  	_ =	shalt  }

</sc_bundles>
